<compile_context>
chip_gen: v7x
topology: tpu7x:2x2x1
jax: 0.10.2.dev20260603
libtpu: 0.0.44.dev20260713+nightly
codegen_flags: <defaults>
</compile_context>

<pallas_src>
import functools

import jax
import jax.numpy as jnp
from jax import lax
from jax.experimental import pallas as pl
from jax.experimental.pallas import tpu as pltpu
from jax.experimental.pallas import tpu_sc as plsc

_NUM_CORES = 2
_NUM_SUBCORES = 16
_NUM_WORKERS = _NUM_CORES * _NUM_SUBCORES
_LANES = 16


def kernel(user_id, interacted_items, user_table, item_table):
    del interacted_items, item_table
    batch = user_id.shape[0]
    dim = user_table.shape[1]
    b_per_w = batch // _NUM_WORKERS

    mesh = plsc.VectorSubcoreMesh(core_axis_name="c", subcore_axis_name="s")

    @functools.partial(
        pl.kernel,
        mesh=mesh,
        out_type=jax.ShapeDtypeStruct((batch, dim), jnp.float32),
        scratch_types=[
            pltpu.VMEM((b_per_w,), jnp.int32),
            pltpu.VMEM((b_per_w, dim), jnp.float32),
            pltpu.SemaphoreType.DMA,
        ],
    )
    def gather_rows(idx_hbm, table_hbm, out_hbm, idx_v, rows_v, sem):
        wid = lax.axis_index("s") * _NUM_CORES + lax.axis_index("c")
        base = wid * b_per_w
        pltpu.sync_copy(idx_hbm.at[pl.ds(base, b_per_w)], idx_v)

        half = b_per_w // 2

        def chunk_body(ci, carry):
            vec = idx_v[pl.ds(ci * _LANES, _LANES)]
            for j in range(_LANES):
                r = vec[j]
                row = ci * _LANES + j
                pltpu.make_async_copy(
                    table_hbm.at[pl.ds(r, 1), :],
                    rows_v.at[pl.ds(row, 1), :],
                    sem,
                ).start()
            vec2 = idx_v[pl.ds(half + ci * _LANES, _LANES)]
            for j in range(_LANES):
                r = vec2[j]
                row = half + ci * _LANES + j
                pltpu.make_async_copy(
                    table_hbm.at[pl.ds(r, 1), :],
                    out_hbm.at[pl.ds(base + row, 1), :],
                    sem,
                ).start()
            return carry

        lax.fori_loop(0, half // _LANES, chunk_body, 0)
        pltpu.make_async_copy(
            table_hbm.at[pl.ds(0, half), :],
            rows_v.at[pl.ds(0, half), :],
            sem,
        ).wait()
        pltpu.make_async_copy(
            table_hbm.at[pl.ds(0, half), :],
            out_hbm.at[pl.ds(base, half), :],
            sem,
        ).wait()
        pltpu.sync_copy(
            rows_v.at[pl.ds(0, half), :], out_hbm.at[pl.ds(base, half)]
        )

    return gather_rows(user_id, user_table)

# --- scband reference (transcript-rebuilt; emitter-appended) ---
"""Pipeline reference for scband-single-domain-embedding-75033078661552 (READ-ONLY COPY).

The authoritative reference and input builder live on the scoring server;
editing this copy changes nothing except your own understanding.
"""

import jax, jax.numpy as jnp
import numpy as np

N_USER = 1000000
N_ITEM = 1000000
LATENT_DIM = 32
BATCH = 16384
HIST = 50

def setup_inputs(seed: int = 0) -> dict:
    key = jax.random.key(seed)
    k1, k2, k3, k4 = jax.random.split(key, 4)
    user_id = jax.random.randint(k1, (BATCH,), 0, N_USER, dtype=jnp.int64 if jax.config.jax_enable_x64 else jnp.int32)
    interacted_items = jax.random.randint(k2, (BATCH, HIST), 0, N_ITEM, dtype=jnp.int64 if jax.config.jax_enable_x64 else jnp.int32)
    # user embedding table: nn.Embedding(n_user+1, latent_dim, padding_idx=0), init normal std=0.01, padding row zeroed
    user_table = jax.random.normal(k3, (N_USER + 1, LATENT_DIM), dtype=jnp.float32) * 0.01
    user_table = user_table.at[0].set(0.0)
    # item embedding table exists in the module but is unused in forward with user_embed='user'
    item_table = jax.random.normal(k4, (N_ITEM + 1, LATENT_DIM), dtype=jnp.float32) * 0.01
    item_table = item_table.at[0].set(0.0)
    return {"user_id": user_id, "interacted_items": interacted_items, "user_table": user_table, "item_table": item_table}

def reference(user_id, interacted_items, user_table, item_table):
    # user_embed method == 'user': user_embed = self.user_embed(user_id)
    # interacted_items and item_table are unused in this forward path.
    user_embed = jnp.take(user_table, user_id, axis=0)
    return user_embed

if __name__ == "__main__":
    import jax
    _d = setup_inputs()
    print(jax.jit(kernel)(*tuple(_d.values())))

</pallas_src>

<mosaic_0001>
#map = affine_map<(d0, d1) -> (0)>
#map1 = affine_map<(d0, d1) -> (0, 0)>
module attributes {stable_mosaic.version = 14 : i64} {
  func.func @gather_rows(%arg0: i32, %arg1: i32, %arg2: memref<16384xi32, #tpu.memory_space<hbm>>, %arg3: memref<1000001x32xf32, #tpu.memory_space<hbm>>, %arg4: memref<16384x32xf32, #tpu.memory_space<hbm>>, %arg5: memref<512xi32, #tpu.memory_space<vmem>>, %arg6: memref<512x32xf32, #tpu.memory_space<vmem>>, %arg7: memref<!tpu.dma_semaphore, #tpu.memory_space<semaphore_mem>>) attributes {dimension_semantics = [#tpu.dimension_semantics<core_parallel>, #tpu.dimension_semantics<subcore_parallel>], iteration_bounds = array<i64: 2, 16>, scalar_prefetch = 0 : i64, scratch_operands = 3 : i64, tpu.core_type = #tpu.core_type<sc_vector_subcore>, window_params = [{transform_indices = #map}, {transform_indices = #map1}, {transform_indices = #map1}]} {
    %mul3A = arith.constant 2 : i32
    %mul3A_0 = arith.muli %arg1, %mul3A : i32
    %add3A = arith.addi %mul3A_0, %arg0 : i32
    %mul3A_1 = arith.constant 512 : i32
    %mul3A_2 = arith.muli %add3A, %mul3A_1 : i32
    "tpu.region"() ({
      %run_scoped3A = tpu.sem_alloc : memref<!tpu.dma_semaphore, #tpu.memory_space<semaphore_mem>>
      %dma_start3A = tpu.memref_slice %arg2[%mul3A_2] : memref<16384xi32, #tpu.memory_space<hbm>> -> memref<512xi32, #tpu.memory_space<hbm>>
      %dma_start3A_24 = tpu.memref_slice %arg2[%mul3A_2] : memref<16384xi32, #tpu.memory_space<hbm>> -> memref<512xi32, #tpu.memory_space<hbm>>
      tpu.enqueue_dma source(%dma_start3A_24 : memref<512xi32, #tpu.memory_space<hbm>>) target(%arg5 : memref<512xi32, #tpu.memory_space<vmem>>) target_semaphore(%run_scoped3A : memref<!tpu.dma_semaphore, #tpu.memory_space<semaphore_mem>>)
      %dma_wait3A_25 = tpu.memref_slice %arg2[%mul3A_2] : memref<16384xi32, #tpu.memory_space<hbm>> -> memref<512xi32, #tpu.memory_space<hbm>>
      %dma_wait3A_26 = tpu.memref_slice %arg2[%mul3A_2] : memref<16384xi32, #tpu.memory_space<hbm>> -> memref<512xi32, #tpu.memory_space<hbm>>
      tpu.wait_dma2 semaphore(%run_scoped3A : memref<!tpu.dma_semaphore, #tpu.memory_space<semaphore_mem>>) src(%dma_wait3A_26 : memref<512xi32, #tpu.memory_space<hbm>>) dst(%arg5 : memref<512xi32, #tpu.memory_space<vmem>>)
      tpu.yield
    }) : () -> ()
    %scan3A = arith.constant 0 : i32
    %scan3A_3 = arith.constant 0 : i32
    %scan3A_4 = arith.constant 16 : i32
    %scan3A_5 = arith.addi %scan3A_3, %scan3A_4 : i32
    %scan3A_6 = arith.constant 1 : i32
    scf.for %scan3A_24 = %scan3A_3 to %scan3A_5 step %scan3A_6  : i32 {
      %mul3A_25 = arith.constant 16 : i32
      %mul3A_26 = arith.muli %scan3A_24, %mul3A_25 : i32
      %get3A = arith.index_cast %mul3A_26 : i32 to index
      %get3A_27 = tpu.vector_load %arg5[%get3A] {strides = array<i32>} : memref<512xi32, #tpu.memory_space<vmem>>, vector<16xi32>,
      %get3A_28 = vector.shape_cast %get3A_27 : vector<16xi32> to vector<16xi32>
      %slice3A = vector.extract_strided_slice %get3A_28 {offsets = [0], sizes = [1], strides = [1]} : vector<16xi32> to vector<1xi32>
      %squeeze3A = vector.extract %slice3A[0] : i32 from vector<1xi32>
      %mul3A_29 = arith.constant 16 : i32
      %mul3A_30 = arith.muli %scan3A_24, %mul3A_29 : i32
      %add3A_31 = arith.constant 0 : i32
      %add3A_32 = arith.addi %mul3A_30, %add3A_31 : i32
      %dma_start3A = arith.constant 0 : i32
      %dma_start3A_33 = tpu.memref_slice %arg6[%add3A_32, %dma_start3A] : memref<512x32xf32, #tpu.memory_space<vmem>> -> memref<1x32xf32, #tpu.memory_space<vmem>>
      %dma_start3A_34 = arith.constant 0 : i32
      %dma_start3A_35 = tpu.memref_slice %arg3[%squeeze3A, %dma_start3A_34] : memref<1000001x32xf32, #tpu.memory_space<hbm>> -> memref<1x32xf32, #tpu.memory_space<hbm>>
      %dma_start3A_36 = arith.constant 0 : i32
      %dma_start3A_37 = tpu.memref_slice %arg6[%add3A_32, %dma_start3A_36] : memref<512x32xf32, #tpu.memory_space<vmem>> -> memref<1x32xf32, #tpu.memory_space<vmem>>
      %dma_start3A_38 = arith.constant 0 : i32
      %dma_start3A_39 = tpu.memref_slice %arg3[%squeeze3A, %dma_start3A_38] : memref<1000001x32xf32, #tpu.memory_space<hbm>> -> memref<1x32xf32, #tpu.memory_space<hbm>>
      tpu.enqueue_dma source(%dma_start3A_39 : memref<1x32xf32, #tpu.memory_space<hbm>>) target(%dma_start3A_37 : memref<1x32xf32, #tpu.memory_space<vmem>>) target_semaphore(%arg7 : memref<!tpu.dma_semaphore, #tpu.memory_space<semaphore_mem>>)
      %slice3A_40 = vector.extract_strided_slice %get3A_28 {offsets = [1], sizes = [1], strides = [1]} : vector<16xi32> to vector<1xi32>
      %squeeze3A_41 = vector.extract %slice3A_40[0] : i32 from vector<1xi32>
      %mul3A_42 = arith.constant 16 : i32
      %mul3A_43 = arith.muli %scan3A_24, %mul3A_42 : i32
      %add3A_44 = arith.constant 1 : i32
      %add3A_45 = arith.addi %mul3A_43, %add3A_44 : i32
      %dma_start3A_46 = arith.constant 0 : i32
      %dma_start3A_47 = tpu.memref_slice %arg6[%add3A_45, %dma_start3A_46] : memref<512x32xf32, #tpu.memory_space<vmem>> -> memref<1x32xf32, #tpu.memory_space<vmem>>
      %dma_start3A_48 = arith.constant 0 : i32
      %dma_start3A_49 = tpu.memref_slice %arg3[%squeeze3A_41, %dma_start3A_48] : memref<1000001x32xf32, #tpu.memory_space<hbm>> -> memref<1x32xf32, #tpu.memory_space<hbm>>
      %dma_start3A_50 = arith.constant 0 : i32
      %dma_start3A_51 = tpu.memref_slice %arg6[%add3A_45, %dma_start3A_50] : memref<512x32xf32, #tpu.memory_space<vmem>> -> memref<1x32xf32, #tpu.memory_space<vmem>>
      %dma_start3A_52 = arith.constant 0 : i32
      %dma_start3A_53 = tpu.memref_slice %arg3[%squeeze3A_41, %dma_start3A_52] : memref<1000001x32xf32, #tpu.memory_space<hbm>> -> memref<1x32xf32, #tpu.memory_space<hbm>>
      tpu.enqueue_dma source(%dma_start3A_53 : memref<1x32xf32, #tpu.memory_space<hbm>>) target(%dma_start3A_51 : memref<1x32xf32, #tpu.memory_space<vmem>>) target_semaphore(%arg7 : memref<!tpu.dma_semaphore, #tpu.memory_space<semaphore_mem>>)
      %slice3A_54 = vector.extract_strided_slice %get3A_28 {offsets = [2], sizes = [1], strides = [1]} : vector<16xi32> to vector<1xi32>
      %squeeze3A_55 = vector.extract %slice3A_54[0] : i32 from vector<1xi32>
      %mul3A_56 = arith.constant 16 : i32
      %mul3A_57 = arith.muli %scan3A_24, %mul3A_56 : i32
      %add3A_58 = arith.constant 2 : i32
      %add3A_59 = arith.addi %mul3A_57, %add3A_58 : i32
      %dma_start3A_60 = arith.constant 0 : i32
      %dma_start3A_61 = tpu.memref_slice %arg6[%add3A_59, %dma_start3A_60] : memref<512x32xf32, #tpu.memory_space<vmem>> -> memref<1x32xf32, #tpu.memory_space<vmem>>
      %dma_start3A_62 = arith.constant 0 : i32
      %dma_start3A_63 = tpu.memref_slice %arg3[%squeeze3A_55, %dma_start3A_62] : memref<1000001x32xf32, #tpu.memory_space<hbm>> -> memref<1x32xf32, #tpu.memory_space<hbm>>
      %dma_start3A_64 = arith.constant 0 : i32
      %dma_start3A_65 = tpu.memref_slice %arg6[%add3A_59, %dma_start3A_64] : memref<512x32xf32, #tpu.memory_space<vmem>> -> memref<1x32xf32, #tpu.memory_space<vmem>>
      %dma_start3A_66 = arith.constant 0 : i32
      %dma_start3A_67 = tpu.memref_slice %arg3[%squeeze3A_55, %dma_start3A_66] : memref<1000001x32xf32, #tpu.memory_space<hbm>> -> memref<1x32xf32, #tpu.memory_space<hbm>>
      tpu.enqueue_dma source(%dma_start3A_67 : memref<1x32xf32, #tpu.memory_space<hbm>>) target(%dma_start3A_65 : memref<1x32xf32, #tpu.memory_space<vmem>>) target_semaphore(%arg7 : memref<!tpu.dma_semaphore, #tpu.memory_space<semaphore_mem>>)
      %slice3A_68 = vector.extract_strided_slice %get3A_28 {offsets = [3], sizes = [1], strides = [1]} : vector<16xi32> to vector<1xi32>
      %squeeze3A_69 = vector.extract %slice3A_68[0] : i32 from vector<1xi32>
      %mul3A_70 = arith.constant 16 : i32
      %mul3A_71 = arith.muli %scan3A_24, %mul3A_70 : i32
      %add3A_72 = arith.constant 3 : i32
      %add3A_73 = arith.addi %mul3A_71, %add3A_72 : i32
      %dma_start3A_74 = arith.constant 0 : i32
      %dma_start3A_75 = tpu.memref_slice %arg6[%add3A_73, %dma_start3A_74] : memref<512x32xf32, #tpu.memory_space<vmem>> -> memref<1x32xf32, #tpu.memory_space<vmem>>
      %dma_start3A_76 = arith.constant 0 : i32
      %dma_start3A_77 = tpu.memref_slice %arg3[%squeeze3A_69, %dma_start3A_76] : memref<1000001x32xf32, #tpu.memory_space<hbm>> -> memref<1x32xf32, #tpu.memory_space<hbm>>
      %dma_start3A_78 = arith.constant 0 : i32
      %dma_start3A_79 = tpu.memref_slice %arg6[%add3A_73, %dma_start3A_78] : memref<512x32xf32, #tpu.memory_space<vmem>> -> memref<1x32xf32, #tpu.memory_space<vmem>>
      %dma_start3A_80 = arith.constant 0 : i32
      %dma_start3A_81 = tpu.memref_slice %arg3[%squeeze3A_69, %dma_start3A_80] : memref<1000001x32xf32, #tpu.memory_space<hbm>> -> memref<1x32xf32, #tpu.memory_space<hbm>>
      tpu.enqueue_dma source(%dma_start3A_81 : memref<1x32xf32, #tpu.memory_space<hbm>>) target(%dma_start3A_79 : memref<1x32xf32, #tpu.memory_space<vmem>>) target_semaphore(%arg7 : memref<!tpu.dma_semaphore, #tpu.memory_space<semaphore_mem>>)
      %slice3A_82 = vector.extract_strided_slice %get3A_28 {offsets = [4], sizes = [1], strides = [1]} : vector<16xi32> to vector<1xi32>
      %squeeze3A_83 = vector.extract %slice3A_82[0] : i32 from vector<1xi32>
      %mul3A_84 = arith.constant 16 : i32
      %mul3A_85 = arith.muli %scan3A_24, %mul3A_84 : i32
      %add3A_86 = arith.constant 4 : i32
      %add3A_87 = arith.addi %mul3A_85, %add3A_86 : i32
      %dma_start3A_88 = arith.constant 0 : i32
      %dma_start3A_89 = tpu.memref_slice %arg6[%add3A_87, %dma_start3A_88] : memref<512x32xf32, #tpu.memory_space<vmem>> -> memref<1x32xf32, #tpu.memory_space<vmem>>
      %dma_start3A_90 = arith.constant 0 : i32
      %dma_start3A_91 = tpu.memref_slice %arg3[%squeeze3A_83, %dma_start3A_90] : memref<1000001x32xf32, #tpu.memory_space<hbm>> -> memref<1x32xf32, #tpu.memory_space<hbm>>
      %dma_start3A_92 = arith.constant 0 : i32
      %dma_start3A_93 = tpu.memref_slice %arg6[%add3A_87, %dma_start3A_92] : memref<512x32xf32, #tpu.memory_space<vmem>> -> memref<1x32xf32, #tpu.memory_space<vmem>>
      %dma_start3A_94 = arith.constant 0 : i32
      %dma_start3A_95 = tpu.memref_slice %arg3[%squeeze3A_83, %dma_start3A_94] : memref<1000001x32xf32, #tpu.memory_space<hbm>> -> memref<1x32xf32, #tpu.memory_space<hbm>>
      tpu.enqueue_dma source(%dma_start3A_95 : memref<1x32xf32, #tpu.memory_space<hbm>>) target(%dma_start3A_93 : memref<1x32xf32, #tpu.memory_space<vmem>>) target_semaphore(%arg7 : memref<!tpu.dma_semaphore, #tpu.memory_space<semaphore_mem>>)
      %slice3A_96 = vector.extract_strided_slice %get3A_28 {offsets = [5], sizes = [1], strides = [1]} : vector<16xi32> to vector<1xi32>
      %squeeze3A_97 = vector.extract %slice3A_96[0] : i32 from vector<1xi32>
      %mul3A_98 = arith.constant 16 : i32
      %mul3A_99 = arith.muli %scan3A_24, %mul3A_98 : i32
      %add3A_100 = arith.constant 5 : i32
      %add3A_101 = arith.addi %mul3A_99, %add3A_100 : i32
      %dma_start3A_102 = arith.constant 0 : i32
      %dma_start3A_103 = tpu.memref_slice %arg6[%add3A_101, %dma_start3A_102] : memref<512x32xf32, #tpu.memory_space<vmem>> -> memref<1x32xf32, #tpu.memory_space<vmem>>
      %dma_start3A_104 = arith.constant 0 : i32
      %dma_start3A_105 = tpu.memref_slice %arg3[%squeeze3A_97, %dma_start3A_104] : memref<1000001x32xf32, #tpu.memory_space<hbm>> -> memref<1x32xf32, #tpu.memory_space<hbm>>
      %dma_start3A_106 = arith.constant 0 : i32
      %dma_start3A_107 = tpu.memref_slice %arg6[%add3A_101, %dma_start3A_106] : memref<512x32xf32, #tpu.memory_space<vmem>> -> memref<1x32xf32, #tpu.memory_space<vmem>>
      %dma_start3A_108 = arith.constant 0 : i32
      %dma_start3A_109 = tpu.memref_slice %arg3[%squeeze3A_97, %dma_start3A_108] : memref<1000001x32xf32, #tpu.memory_space<hbm>> -> memref<1x32xf32, #tpu.memory_space<hbm>>
      tpu.enqueue_dma source(%dma_start3A_109 : memref<1x32xf32, #tpu.memory_space<hbm>>) target(%dma_start3A_107 : memref<1x32xf32, #tpu.memory_space<vmem>>) target_semaphore(%arg7 : memref<!tpu.dma_semaphore, #tpu.memory_space<semaphore_mem>>)
      %slice3A_110 = vector.extract_strided_slice %get3A_28 {offsets = [6], sizes = [1], strides = [1]} : vector<16xi32> to vector<1xi32>
      %squeeze3A_111 = vector.extract %slice3A_110[0] : i32 from vector<1xi32>
      %mul3A_112 = arith.constant 16 : i32
      %mul3A_113 = arith.muli %scan3A_24, %mul3A_112 : i32
      %add3A_114 = arith.constant 6 : i32
      %add3A_115 = arith.addi %mul3A_113, %add3A_114 : i32
      %dma_start3A_116 = arith.constant 0 : i32
      %dma_start3A_117 = tpu.memref_slice %arg6[%add3A_115, %dma_start3A_116] : memref<512x32xf32, #tpu.memory_space<vmem>> -> memref<1x32xf32, #tpu.memory_space<vmem>>
      %dma_start3A_118 = arith.constant 0 : i32
      %dma_start3A_119 = tpu.memref_slice %arg3[%squeeze3A_111, %dma_start3A_118] : memref<1000001x32xf32, #tpu.memory_space<hbm>> -> memref<1x32xf32, #tpu.memory_space<hbm>>
      %dma_start3A_120 = arith.constant 0 : i32
      %dma_start3A_121 = tpu.memref_slice %arg6[%add3A_115, %dma_start3A_120] : memref<512x32xf32, #tpu.memory_space<vmem>> -> memref<1x32xf32, #tpu.memory_space<vmem>>
      %dma_start3A_122 = arith.constant 0 : i32
      %dma_start3A_123 = tpu.memref_slice %arg3[%squeeze3A_111, %dma_start3A_122] : memref<1000001x32xf32, #tpu.memory_space<hbm>> -> memref<1x32xf32, #tpu.memory_space<hbm>>
      tpu.enqueue_dma source(%dma_start3A_123 : memref<1x32xf32, #tpu.memory_space<hbm>>) target(%dma_start3A_121 : memref<1x32xf32, #tpu.memory_space<vmem>>) target_semaphore(%arg7 : memref<!tpu.dma_semaphore, #tpu.memory_space<semaphore_mem>>)
      %slice3A_124 = vector.extract_strided_slice %get3A_28 {offsets = [7], sizes = [1], strides = [1]} : vector<16xi32> to vector<1xi32>
      %squeeze3A_125 = vector.extract %slice3A_124[0] : i32 from vector<1xi32>
      %mul3A_126 = arith.constant 16 : i32
      %mul3A_127 = arith.muli %scan3A_24, %mul3A_126 : i32
      %add3A_128 = arith.constant 7 : i32
      %add3A_129 = arith.addi %mul3A_127, %add3A_128 : i32
      %dma_start3A_130 = arith.constant 0 : i32
      %dma_start3A_131 = tpu.memref_slice %arg6[%add3A_129, %dma_start3A_130] : memref<512x32xf32, #tpu.memory_space<vmem>> -> memref<1x32xf32, #tpu.memory_space<vmem>>
      %dma_start3A_132 = arith.constant 0 : i32
      %dma_start3A_133 = tpu.memref_slice %arg3[%squeeze3A_125, %dma_start3A_132] : memref<1000001x32xf32, #tpu.memory_space<hbm>> -> memref<1x32xf32, #tpu.memory_space<hbm>>
      %dma_start3A_134 = arith.constant 0 : i32
      %dma_start3A_135 = tpu.memref_slice %arg6[%add3A_129, %dma_start3A_134] : memref<512x32xf32, #tpu.memory_space<vmem>> -> memref<1x32xf32, #tpu.memory_space<vmem>>
      %dma_start3A_136 = arith.constant 0 : i32
      %dma_start3A_137 = tpu.memref_slice %arg3[%squeeze3A_125, %dma_start3A_136] : memref<1000001x32xf32, #tpu.memory_space<hbm>> -> memref<1x32xf32, #tpu.memory_space<hbm>>
      tpu.enqueue_dma source(%dma_start3A_137 : memref<1x32xf32, #tpu.memory_space<hbm>>) target(%dma_start3A_135 : memref<1x32xf32, #tpu.memory_space<vmem>>) target_semaphore(%arg7 : memref<!tpu.dma_semaphore, #tpu.memory_space<semaphore_mem>>)
      %slice3A_138 = vector.extract_strided_slice %get3A_28 {offsets = [8], sizes = [1], strides = [1]} : vector<16xi32> to vector<1xi32>
      %squeeze3A_139 = vector.extract %slice3A_138[0] : i32 from vector<1xi32>
      %mul3A_140 = arith.constant 16 : i32
      %mul3A_141 = arith.muli %scan3A_24, %mul3A_140 : i32
      %add3A_142 = arith.constant 8 : i32
      %add3A_143 = arith.addi %mul3A_141, %add3A_142 : i32
      %dma_start3A_144 = arith.constant 0 : i32
      %dma_start3A_145 = tpu.memref_slice %arg6[%add3A_143, %dma_start3A_144] : memref<512x32xf32, #tpu.memory_space<vmem>> -> memref<1x32xf32, #tpu.memory_space<vmem>>
      %dma_start3A_146 = arith.constant 0 : i32
      %dma_start3A_147 = tpu.memref_slice %arg3[%squeeze3A_139, %dma_start3A_146] : memref<1000001x32xf32, #tpu.memory_space<hbm>> -> memref<1x32xf32, #tpu.memory_space<hbm>>
      %dma_start3A_148 = arith.constant 0 : i32
      %dma_start3A_149 = tpu.memref_slice %arg6[%add3A_143, %dma_start3A_148] : memref<512x32xf32, #tpu.memory_space<vmem>> -> memref<1x32xf32, #tpu.memory_space<vmem>>
      %dma_start3A_150 = arith.constant 0 : i32
      %dma_start3A_151 = tpu.memref_slice %arg3[%squeeze3A_139, %dma_start3A_150] : memref<1000001x32xf32, #tpu.memory_space<hbm>> -> memref<1x32xf32, #tpu.memory_space<hbm>>
      tpu.enqueue_dma source(%dma_start3A_151 : memref<1x32xf32, #tpu.memory_space<hbm>>) target(%dma_start3A_149 : memref<1x32xf32, #tpu.memory_space<vmem>>) target_semaphore(%arg7 : memref<!tpu.dma_semaphore, #tpu.memory_space<semaphore_mem>>)
      %slice3A_152 = vector.extract_strided_slice %get3A_28 {offsets = [9], sizes = [1], strides = [1]} : vector<16xi32> to vector<1xi32>
      %squeeze3A_153 = vector.extract %slice3A_152[0] : i32 from vector<1xi32>
      %mul3A_154 = arith.constant 16 : i32
      %mul3A_155 = arith.muli %scan3A_24, %mul3A_154 : i32
      %add3A_156 = arith.constant 9 : i32
      %add3A_157 = arith.addi %mul3A_155, %add3A_156 : i32
      %dma_start3A_158 = arith.constant 0 : i32
      %dma_start3A_159 = tpu.memref_slice %arg6[%add3A_157, %dma_start3A_158] : memref<512x32xf32, #tpu.memory_space<vmem>> -> memref<1x32xf32, #tpu.memory_space<vmem>>
      %dma_start3A_160 = arith.constant 0 : i32
      %dma_start3A_161 = tpu.memref_slice %arg3[%squeeze3A_153, %dma_start3A_160] : memref<1000001x32xf32, #tpu.memory_space<hbm>> -> memref<1x32xf32, #tpu.memory_space<hbm>>
      %dma_start3A_162 = arith.constant 0 : i32
      %dma_start3A_163 = tpu.memref_slice %arg6[%add3A_157, %dma_start3A_162] : memref<512x32xf32, #tpu.memory_space<vmem>> -> memref<1x32xf32, #tpu.memory_space<vmem>>
      %dma_start3A_164 = arith.constant 0 : i32
      %dma_start3A_165 = tpu.memref_slice %arg3[%squeeze3A_153, %dma_start3A_164] : memref<1000001x32xf32, #tpu.memory_space<hbm>> -> memref<1x32xf32, #tpu.memory_space<hbm>>
      tpu.enqueue_dma source(%dma_start3A_165 : memref<1x32xf32, #tpu.memory_space<hbm>>) target(%dma_start3A_163 : memref<1x32xf32, #tpu.memory_space<vmem>>) target_semaphore(%arg7 : memref<!tpu.dma_semaphore, #tpu.memory_space<semaphore_mem>>)
      %slice3A_166 = vector.extract_strided_slice %get3A_28 {offsets = [10], sizes = [1], strides = [1]} : vector<16xi32> to vector<1xi32>
      %squeeze3A_167 = vector.extract %slice3A_166[0] : i32 from vector<1xi32>
      %mul3A_168 = arith.constant 16 : i32
      %mul3A_169 = arith.muli %scan3A_24, %mul3A_168 : i32
      %add3A_170 = arith.constant 10 : i32
      %add3A_171 = arith.addi %mul3A_169, %add3A_170 : i32
      %dma_start3A_172 = arith.constant 0 : i32
      %dma_start3A_173 = tpu.memref_slice %arg6[%add3A_171, %dma_start3A_172] : memref<512x32xf32, #tpu.memory_space<vmem>> -> memref<1x32xf32, #tpu.memory_space<vmem>>
      %dma_start3A_174 = arith.constant 0 : i32
      %dma_start3A_175 = tpu.memref_slice %arg3[%squeeze3A_167, %dma_start3A_174] : memref<1000001x32xf32, #tpu.memory_space<hbm>> -> memref<1x32xf32, #tpu.memory_space<hbm>>
      %dma_start3A_176 = arith.constant 0 : i32
      %dma_start3A_177 = tpu.memref_slice %arg6[%add3A_171, %dma_start3A_176] : memref<512x32xf32, #tpu.memory_space<vmem>> -> memref<1x32xf32, #tpu.memory_space<vmem>>
      %dma_start3A_178 = arith.constant 0 : i32
      %dma_start3A_179 = tpu.memref_slice %arg3[%squeeze3A_167, %dma_start3A_178] : memref<1000001x32xf32, #tpu.memory_space<hbm>> -> memref<1x32xf32, #tpu.memory_space<hbm>>
      tpu.enqueue_dma source(%dma_start3A_179 : memref<1x32xf32, #tpu.memory_space<hbm>>) target(%dma_start3A_177 : memref<1x32xf32, #tpu.memory_space<vmem>>) target_semaphore(%arg7 : memref<!tpu.dma_semaphore, #tpu.memory_space<semaphore_mem>>)
      %slice3A_180 = vector.extract_strided_slice %get3A_28 {offsets = [11], sizes = [1], strides = [1]} : vector<16xi32> to vector<1xi32>
      %squeeze3A_181 = vector.extract %slice3A_180[0] : i32 from vector<1xi32>
      %mul3A_182 = arith.constant 16 : i32
      %mul3A_183 = arith.muli %scan3A_24, %mul3A_182 : i32
      %add3A_184 = arith.constant 11 : i32
      %add3A_185 = arith.addi %mul3A_183, %add3A_184 : i32
      %dma_start3A_186 = arith.constant 0 : i32
      %dma_start3A_187 = tpu.memref_slice %arg6[%add3A_185, %dma_start3A_186] : memref<512x32xf32, #tpu.memory_space<vmem>> -> memref<1x32xf32, #tpu.memory_space<vmem>>
      %dma_start3A_188 = arith.constant 0 : i32
      %dma_start3A_189 = tpu.memref_slice %arg3[%squeeze3A_181, %dma_start3A_188] : memref<1000001x32xf32, #tpu.memory_space<hbm>> -> memref<1x32xf32, #tpu.memory_space<hbm>>
      %dma_start3A_190 = arith.constant 0 : i32
      %dma_start3A_191 = tpu.memref_slice %arg6[%add3A_185, %dma_start3A_190] : memref<512x32xf32, #tpu.memory_space<vmem>> -> memref<1x32xf32, #tpu.memory_space<vmem>>
      %dma_start3A_192 = arith.constant 0 : i32
      %dma_start3A_193 = tpu.memref_slice %arg3[%squeeze3A_181, %dma_start3A_192] : memref<1000001x32xf32, #tpu.memory_space<hbm>> -> memref<1x32xf32, #tpu.memory_space<hbm>>
      tpu.enqueue_dma source(%dma_start3A_193 : memref<1x32xf32, #tpu.memory_space<hbm>>) target(%dma_start3A_191 : memref<1x32xf32, #tpu.memory_space<vmem>>) target_semaphore(%arg7 : memref<!tpu.dma_semaphore, #tpu.memory_space<semaphore_mem>>)
      %slice3A_194 = vector.extract_strided_slice %get3A_28 {offsets = [12], sizes = [1], strides = [1]} : vector<16xi32> to vector<1xi32>
      %squeeze3A_195 = vector.extract %slice3A_194[0] : i32 from vector<1xi32>
      %mul3A_196 = arith.constant 16 : i32
      %mul3A_197 = arith.muli %scan3A_24, %mul3A_196 : i32
      %add3A_198 = arith.constant 12 : i32
      %add3A_199 = arith.addi %mul3A_197, %add3A_198 : i32
      %dma_start3A_200 = arith.constant 0 : i32
      %dma_start3A_201 = tpu.memref_slice %arg6[%add3A_199, %dma_start3A_200] : memref<512x32xf32, #tpu.memory_space<vmem>> -> memref<1x32xf32, #tpu.memory_space<vmem>>
      %dma_start3A_202 = arith.constant 0 : i32
      %dma_start3A_203 = tpu.memref_slice %arg3[%squeeze3A_195, %dma_start3A_202] : memref<1000001x32xf32, #tpu.memory_space<hbm>> -> memref<1x32xf32, #tpu.memory_space<hbm>>
      %dma_start3A_204 = arith.constant 0 : i32
      %dma_start3A_205 = tpu.memref_slice %arg6[%add3A_199, %dma_start3A_204] : memref<512x32xf32, #tpu.memory_space<vmem>> -> memref<1x32xf32, #tpu.memory_space<vmem>>
      %dma_start3A_206 = arith.constant 0 : i32
      %dma_start3A_207 = tpu.memref_slice %arg3[%squeeze3A_195, %dma_start3A_206] : memref<1000001x32xf32, #tpu.memory_space<hbm>> -> memref<1x32xf32, #tpu.memory_space<hbm>>
      tpu.enqueue_dma source(%dma_start3A_207 : memref<1x32xf32, #tpu.memory_space<hbm>>) target(%dma_start3A_205 : memref<1x32xf32, #tpu.memory_space<vmem>>) target_semaphore(%arg7 : memref<!tpu.dma_semaphore, #tpu.memory_space<semaphore_mem>>)
      %slice3A_208 = vector.extract_strided_slice %get3A_28 {offsets = [13], sizes = [1], strides = [1]} : vector<16xi32> to vector<1xi32>
      %squeeze3A_209 = vector.extract %slice3A_208[0] : i32 from vector<1xi32>
      %mul3A_210 = arith.constant 16 : i32
      %mul3A_211 = arith.muli %scan3A_24, %mul3A_210 : i32
      %add3A_212 = arith.constant 13 : i32
      %add3A_213 = arith.addi %mul3A_211, %add3A_212 : i32
      %dma_start3A_214 = arith.constant 0 : i32
      %dma_start3A_215 = tpu.memref_slice %arg6[%add3A_213, %dma_start3A_214] : memref<512x32xf32, #tpu.memory_space<vmem>> -> memref<1x32xf32, #tpu.memory_space<vmem>>
      %dma_start3A_216 = arith.constant 0 : i32
      %dma_start3A_217 = tpu.memref_slice %arg3[%squeeze3A_209, %dma_start3A_216] : memref<1000001x32xf32, #tpu.memory_space<hbm>> -> memref<1x32xf32, #tpu.memory_space<hbm>>
      %dma_start3A_218 = arith.constant 0 : i32
      %dma_start3A_219 = tpu.memref_slice %arg6[%add3A_213, %dma_start3A_218] : memref<512x32xf32, #tpu.memory_space<vmem>> -> memref<1x32xf32, #tpu.memory_space<vmem>>
      %dma_start3A_220 = arith.constant 0 : i32
      %dma_start3A_221 = tpu.memref_slice %arg3[%squeeze3A_209, %dma_start3A_220] : memref<1000001x32xf32, #tpu.memory_space<hbm>> -> memref<1x32xf32, #tpu.memory_space<hbm>>
      tpu.enqueue_dma source(%dma_start3A_221 : memref<1x32xf32, #tpu.memory_space<hbm>>) target(%dma_start3A_219 : memref<1x32xf32, #tpu.memory_space<vmem>>) target_semaphore(%arg7 : memref<!tpu.dma_semaphore, #tpu.memory_space<semaphore_mem>>)
      %slice3A_222 = vector.extract_strided_slice %get3A_28 {offsets = [14], sizes = [1], strides = [1]} : vector<16xi32> to vector<1xi32>
      %squeeze3A_223 = vector.extract %slice3A_222[0] : i32 from vector<1xi32>
      %mul3A_224 = arith.constant 16 : i32
      %mul3A_225 = arith.muli %scan3A_24, %mul3A_224 : i32
      %add3A_226 = arith.constant 14 : i32
      %add3A_227 = arith.addi %mul3A_225, %add3A_226 : i32
      %dma_start3A_228 = arith.constant 0 : i32
      %dma_start3A_229 = tpu.memref_slice %arg6[%add3A_227, %dma_start3A_228] : memref<512x32xf32, #tpu.memory_space<vmem>> -> memref<1x32xf32, #tpu.memory_space<vmem>>
      %dma_start3A_230 = arith.constant 0 : i32
      %dma_start3A_231 = tpu.memref_slice %arg3[%squeeze3A_223, %dma_start3A_230] : memref<1000001x32xf32, #tpu.memory_space<hbm>> -> memref<1x32xf32, #tpu.memory_space<hbm>>
      %dma_start3A_232 = arith.constant 0 : i32
      %dma_start3A_233 = tpu.memref_slice %arg6[%add3A_227, %dma_start3A_232] : memref<512x32xf32, #tpu.memory_space<vmem>> -> memref<1x32xf32, #tpu.memory_space<vmem>>
      %dma_start3A_234 = arith.constant 0 : i32
      %dma_start3A_235 = tpu.memref_slice %arg3[%squeeze3A_223, %dma_start3A_234] : memref<1000001x32xf32, #tpu.memory_space<hbm>> -> memref<1x32xf32, #tpu.memory_space<hbm>>
      tpu.enqueue_dma source(%dma_start3A_235 : memref<1x32xf32, #tpu.memory_space<hbm>>) target(%dma_start3A_233 : memref<1x32xf32, #tpu.memory_space<vmem>>) target_semaphore(%arg7 : memref<!tpu.dma_semaphore, #tpu.memory_space<semaphore_mem>>)
      %slice3A_236 = vector.extract_strided_slice %get3A_28 {offsets = [15], sizes = [1], strides = [1]} : vector<16xi32> to vector<1xi32>
      %squeeze3A_237 = vector.extract %slice3A_236[0] : i32 from vector<1xi32>
      %mul3A_238 = arith.constant 16 : i32
      %mul3A_239 = arith.muli %scan3A_24, %mul3A_238 : i32
      %add3A_240 = arith.constant 15 : i32
      %add3A_241 = arith.addi %mul3A_239, %add3A_240 : i32
      %dma_start3A_242 = arith.constant 0 : i32
      %dma_start3A_243 = tpu.memref_slice %arg6[%add3A_241, %dma_start3A_242] : memref<512x32xf32, #tpu.memory_space<vmem>> -> memref<1x32xf32, #tpu.memory_space<vmem>>
      %dma_start3A_244 = arith.constant 0 : i32
      %dma_start3A_245 = tpu.memref_slice %arg3[%squeeze3A_237, %dma_start3A_244] : memref<1000001x32xf32, #tpu.memory_space<hbm>> -> memref<1x32xf32, #tpu.memory_space<hbm>>
      %dma_start3A_246 = arith.constant 0 : i32
      %dma_start3A_247 = tpu.memref_slice %arg6[%add3A_241, %dma_start3A_246] : memref<512x32xf32, #tpu.memory_space<vmem>> -> memref<1x32xf32, #tpu.memory_space<vmem>>
      %dma_start3A_248 = arith.constant 0 : i32
      %dma_start3A_249 = tpu.memref_slice %arg3[%squeeze3A_237, %dma_start3A_248] : memref<1000001x32xf32, #tpu.memory_space<hbm>> -> memref<1x32xf32, #tpu.memory_space<hbm>>
      tpu.enqueue_dma source(%dma_start3A_249 : memref<1x32xf32, #tpu.memory_space<hbm>>) target(%dma_start3A_247 : memref<1x32xf32, #tpu.memory_space<vmem>>) target_semaphore(%arg7 : memref<!tpu.dma_semaphore, #tpu.memory_space<semaphore_mem>>)
      %mul3A_250 = arith.constant 16 : i32
      %mul3A_251 = arith.muli %scan3A_24, %mul3A_250 : i32
      %add3A_252 = arith.constant 256 : i32
      %add3A_253 = arith.addi %add3A_252, %mul3A_251 : i32
      %get3A_254 = arith.index_cast %add3A_253 : i32 to index
      %get3A_255 = tpu.vector_load %arg5[%get3A_254] {strides = array<i32>} : memref<512xi32, #tpu.memory_space<vmem>>, vector<16xi32>,
      %get3A_256 = vector.shape_cast %get3A_255 : vector<16xi32> to vector<16xi32>
      %slice3A_257 = vector.extract_strided_slice %get3A_256 {offsets = [0], sizes = [1], strides = [1]} : vector<16xi32> to vector<1xi32>
      %squeeze3A_258 = vector.extract %slice3A_257[0] : i32 from vector<1xi32>
      %mul3A_259 = arith.constant 16 : i32
      %mul3A_260 = arith.muli %scan3A_24, %mul3A_259 : i32
      %add3A_261 = arith.constant 256 : i32
      %add3A_262 = arith.addi %add3A_261, %mul3A_260 : i32
      %add3A_263 = arith.constant 0 : i32
      %add3A_264 = arith.addi %add3A_262, %add3A_263 : i32
      %add3A_265 = arith.addi %mul3A_2, %add3A_264 : i32
      %dma_start3A_266 = arith.constant 0 : i32
      %dma_start3A_267 = tpu.memref_slice %arg4[%add3A_265, %dma_start3A_266] : memref<16384x32xf32, #tpu.memory_space<hbm>> -> memref<1x32xf32, #tpu.memory_space<hbm>>
      %dma_start3A_268 = arith.constant 0 : i32
      %dma_start3A_269 = tpu.memref_slice %arg3[%squeeze3A_258, %dma_start3A_268] : memref<1000001x32xf32, #tpu.memory_space<hbm>> -> memref<1x32xf32, #tpu.memory_space<hbm>>
      tpu.enqueue_dma source(%dma_start3A_269 : memref<1x32xf32, #tpu.memory_space<hbm>>) target(%dma_start3A_267 : memref<1x32xf32, #tpu.memory_space<hbm>>) target_semaphore(%arg7 : memref<!tpu.dma_semaphore, #tpu.memory_space<semaphore_mem>>)
      %slice3A_270 = vector.extract_strided_slice %get3A_256 {offsets = [1], sizes = [1], strides = [1]} : vector<16xi32> to vector<1xi32>
      %squeeze3A_271 = vector.extract %slice3A_270[0] : i32 from vector<1xi32>
      %mul3A_272 = arith.constant 16 : i32
      %mul3A_273 = arith.muli %scan3A_24, %mul3A_272 : i32
      %add3A_274 = arith.constant 256 : i32
      %add3A_275 = arith.addi %add3A_274, %mul3A_273 : i32
      %add3A_276 = arith.constant 1 : i32
      %add3A_277 = arith.addi %add3A_275, %add3A_276 : i32
      %add3A_278 = arith.addi %mul3A_2, %add3A_277 : i32
      %dma_start3A_279 = arith.constant 0 : i32
      %dma_start3A_280 = tpu.memref_slice %arg4[%add3A_278, %dma_start3A_279] : memref<16384x32xf32, #tpu.memory_space<hbm>> -> memref<1x32xf32, #tpu.memory_space<hbm>>
      %dma_start3A_281 = arith.constant 0 : i32
      %dma_start3A_282 = tpu.memref_slice %arg3[%squeeze3A_271, %dma_start3A_281] : memref<1000001x32xf32, #tpu.memory_space<hbm>> -> memref<1x32xf32, #tpu.memory_space<hbm>>
      tpu.enqueue_dma source(%dma_start3A_282 : memref<1x32xf32, #tpu.memory_space<hbm>>) target(%dma_start3A_280 : memref<1x32xf32, #tpu.memory_space<hbm>>) target_semaphore(%arg7 : memref<!tpu.dma_semaphore, #tpu.memory_space<semaphore_mem>>)
      %slice3A_283 = vector.extract_strided_slice %get3A_256 {offsets = [2], sizes = [1], strides = [1]} : vector<16xi32> to vector<1xi32>
      %squeeze3A_284 = vector.extract %slice3A_283[0] : i32 from vector<1xi32>
      %mul3A_285 = arith.constant 16 : i32
      %mul3A_286 = arith.muli %scan3A_24, %mul3A_285 : i32
      %add3A_287 = arith.constant 256 : i32
      %add3A_288 = arith.addi %add3A_287, %mul3A_286 : i32
      %add3A_289 = arith.constant 2 : i32
      %add3A_290 = arith.addi %add3A_288, %add3A_289 : i32
      %add3A_291 = arith.addi %mul3A_2, %add3A_290 : i32
      %dma_start3A_292 = arith.constant 0 : i32
      %dma_start3A_293 = tpu.memref_slice %arg4[%add3A_291, %dma_start3A_292] : memref<16384x32xf32, #tpu.memory_space<hbm>> -> memref<1x32xf32, #tpu.memory_space<hbm>>
      %dma_start3A_294 = arith.constant 0 : i32
      %dma_start3A_295 = tpu.memref_slice %arg3[%squeeze3A_284, %dma_start3A_294] : memref<1000001x32xf32, #tpu.memory_space<hbm>> -> memref<1x32xf32, #tpu.memory_space<hbm>>
      tpu.enqueue_dma source(%dma_start3A_295 : memref<1x32xf32, #tpu.memory_space<hbm>>) target(%dma_start3A_293 : memref<1x32xf32, #tpu.memory_space<hbm>>) target_semaphore(%arg7 : memref<!tpu.dma_semaphore, #tpu.memory_space<semaphore_mem>>)
      %slice3A_296 = vector.extract_strided_slice %get3A_256 {offsets = [3], sizes = [1], strides = [1]} : vector<16xi32> to vector<1xi32>
      %squeeze3A_297 = vector.extract %slice3A_296[0] : i32 from vector<1xi32>
      %mul3A_298 = arith.constant 16 : i32
      %mul3A_299 = arith.muli %scan3A_24, %mul3A_298 : i32
      %add3A_300 = arith.constant 256 : i32
      %add3A_301 = arith.addi %add3A_300, %mul3A_299 : i32
      %add3A_302 = arith.constant 3 : i32
      %add3A_303 = arith.addi %add3A_301, %add3A_302 : i32
      %add3A_304 = arith.addi %mul3A_2, %add3A_303 : i32
      %dma_start3A_305 = arith.constant 0 : i32
      %dma_start3A_306 = tpu.memref_slice %arg4[%add3A_304, %dma_start3A_305] : memref<16384x32xf32, #tpu.memory_space<hbm>> -> memref<1x32xf32, #tpu.memory_space<hbm>>
      %dma_start3A_307 = arith.constant 0 : i32
      %dma_start3A_308 = tpu.memref_slice %arg3[%squeeze3A_297, %dma_start3A_307] : memref<1000001x32xf32, #tpu.memory_space<hbm>> -> memref<1x32xf32, #tpu.memory_space<hbm>>
      tpu.enqueue_dma source(%dma_start3A_308 : memref<1x32xf32, #tpu.memory_space<hbm>>) target(%dma_start3A_306 : memref<1x32xf32, #tpu.memory_space<hbm>>) target_semaphore(%arg7 : memref<!tpu.dma_semaphore, #tpu.memory_space<semaphore_mem>>)
      %slice3A_309 = vector.extract_strided_slice %get3A_256 {offsets = [4], sizes = [1], strides = [1]} : vector<16xi32> to vector<1xi32>
      %squeeze3A_310 = vector.extract %slice3A_309[0] : i32 from vector<1xi32>
      %mul3A_311 = arith.constant 16 : i32
      %mul3A_312 = arith.muli %scan3A_24, %mul3A_311 : i32
      %add3A_313 = arith.constant 256 : i32
      %add3A_314 = arith.addi %add3A_313, %mul3A_312 : i32
      %add3A_315 = arith.constant 4 : i32
      %add3A_316 = arith.addi %add3A_314, %add3A_315 : i32
      %add3A_317 = arith.addi %mul3A_2, %add3A_316 : i32
      %dma_start3A_318 = arith.constant 0 : i32
      %dma_start3A_319 = tpu.memref_slice %arg4[%add3A_317, %dma_start3A_318] : memref<16384x32xf32, #tpu.memory_space<hbm>> -> memref<1x32xf32, #tpu.memory_space<hbm>>
      %dma_start3A_320 = arith.constant 0 : i32
      %dma_start3A_321 = tpu.memref_slice %arg3[%squeeze3A_310, %dma_start3A_320] : memref<1000001x32xf32, #tpu.memory_space<hbm>> -> memref<1x32xf32, #tpu.memory_space<hbm>>
      tpu.enqueue_dma source(%dma_start3A_321 : memref<1x32xf32, #tpu.memory_space<hbm>>) target(%dma_start3A_319 : memref<1x32xf32, #tpu.memory_space<hbm>>) target_semaphore(%arg7 : memref<!tpu.dma_semaphore, #tpu.memory_space<semaphore_mem>>)
      %slice3A_322 = vector.extract_strided_slice %get3A_256 {offsets = [5], sizes = [1], strides = [1]} : vector<16xi32> to vector<1xi32>
      %squeeze3A_323 = vector.extract %slice3A_322[0] : i32 from vector<1xi32>
      %mul3A_324 = arith.constant 16 : i32
      %mul3A_325 = arith.muli %scan3A_24, %mul3A_324 : i32
      %add3A_326 = arith.constant 256 : i32
      %add3A_327 = arith.addi %add3A_326, %mul3A_325 : i32
      %add3A_328 = arith.constant 5 : i32
      %add3A_329 = arith.addi %add3A_327, %add3A_328 : i32
      %add3A_330 = arith.addi %mul3A_2, %add3A_329 : i32
      %dma_start3A_331 = arith.constant 0 : i32
      %dma_start3A_332 = tpu.memref_slice %arg4[%add3A_330, %dma_start3A_331] : memref<16384x32xf32, #tpu.memory_space<hbm>> -> memref<1x32xf32, #tpu.memory_space<hbm>>
      %dma_start3A_333 = arith.constant 0 : i32
      %dma_start3A_334 = tpu.memref_slice %arg3[%squeeze3A_323, %dma_start3A_333] : memref<1000001x32xf32, #tpu.memory_space<hbm>> -> memref<1x32xf32, #tpu.memory_space<hbm>>
      tpu.enqueue_dma source(%dma_start3A_334 : memref<1x32xf32, #tpu.memory_space<hbm>>) target(%dma_start3A_332 : memref<1x32xf32, #tpu.memory_space<hbm>>) target_semaphore(%arg7 : memref<!tpu.dma_semaphore, #tpu.memory_space<semaphore_mem>>)
      %slice3A_335 = vector.extract_strided_slice %get3A_256 {offsets = [6], sizes = [1], strides = [1]} : vector<16xi32> to vector<1xi32>
      %squeeze3A_336 = vector.extract %slice3A_335[0] : i32 from vector<1xi32>
      %mul3A_337 = arith.constant 16 : i32
      %mul3A_338 = arith.muli %scan3A_24, %mul3A_337 : i32
      %add3A_339 = arith.constant 256 : i32
      %add3A_340 = arith.addi %add3A_339, %mul3A_338 : i32
      %add3A_341 = arith.constant 6 : i32
      %add3A_342 = arith.addi %add3A_340, %add3A_341 : i32
      %add3A_343 = arith.addi %mul3A_2, %add3A_342 : i32
      %dma_start3A_344 = arith.constant 0 : i32
      %dma_start3A_345 = tpu.memref_slice %arg4[%add3A_343, %dma_start3A_344] : memref<16384x32xf32, #tpu.memory_space<hbm>> -> memref<1x32xf32, #tpu.memory_space<hbm>>
      %dma_start3A_346 = arith.constant 0 : i32
      %dma_start3A_347 = tpu.memref_slice %arg3[%squeeze3A_336, %dma_start3A_346] : memref<1000001x32xf32, #tpu.memory_space<hbm>> -> memref<1x32xf32, #tpu.memory_space<hbm>>
      tpu.enqueue_dma source(%dma_start3A_347 : memref<1x32xf32, #tpu.memory_space<hbm>>) target(%dma_start3A_345 : memref<1x32xf32, #tpu.memory_space<hbm>>) target_semaphore(%arg7 : memref<!tpu.dma_semaphore, #tpu.memory_space<semaphore_mem>>)
      %slice3A_348 = vector.extract_strided_slice %get3A_256 {offsets = [7], sizes = [1], strides = [1]} : vector<16xi32> to vector<1xi32>
      %squeeze3A_349 = vector.extract %slice3A_348[0] : i32 from vector<1xi32>
      %mul3A_350 = arith.constant 16 : i32
      %mul3A_351 = arith.muli %scan3A_24, %mul3A_350 : i32
      %add3A_352 = arith.constant 256 : i32
      %add3A_353 = arith.addi %add3A_352, %mul3A_351 : i32
      %add3A_354 = arith.constant 7 : i32
      %add3A_355 = arith.addi %add3A_353, %add3A_354 : i32
      %add3A_356 = arith.addi %mul3A_2, %add3A_355 : i32
      %dma_start3A_357 = arith.constant 0 : i32
      %dma_start3A_358 = tpu.memref_slice %arg4[%add3A_356, %dma_start3A_357] : memref<16384x32xf32, #tpu.memory_space<hbm>> -> memref<1x32xf32, #tpu.memory_space<hbm>>
      %dma_start3A_359 = arith.constant 0 : i32
      %dma_start3A_360 = tpu.memref_slice %arg3[%squeeze3A_349, %dma_start3A_359] : memref<1000001x32xf32, #tpu.memory_space<hbm>> -> memref<1x32xf32, #tpu.memory_space<hbm>>
      tpu.enqueue_dma source(%dma_start3A_360 : memref<1x32xf32, #tpu.memory_space<hbm>>) target(%dma_start3A_358 : memref<1x32xf32, #tpu.memory_space<hbm>>) target_semaphore(%arg7 : memref<!tpu.dma_semaphore, #tpu.memory_space<semaphore_mem>>)
      %slice3A_361 = vector.extract_strided_slice %get3A_256 {offsets = [8], sizes = [1], strides = [1]} : vector<16xi32> to vector<1xi32>
      %squeeze3A_362 = vector.extract %slice3A_361[0] : i32 from vector<1xi32>
      %mul3A_363 = arith.constant 16 : i32
      %mul3A_364 = arith.muli %scan3A_24, %mul3A_363 : i32
      %add3A_365 = arith.constant 256 : i32
      %add3A_366 = arith.addi %add3A_365, %mul3A_364 : i32
      %add3A_367 = arith.constant 8 : i32
      %add3A_368 = arith.addi %add3A_366, %add3A_367 : i32
      %add3A_369 = arith.addi %mul3A_2, %add3A_368 : i32
      %dma_start3A_370 = arith.constant 0 : i32
      %dma_start3A_371 = tpu.memref_slice %arg4[%add3A_369, %dma_start3A_370] : memref<16384x32xf32, #tpu.memory_space<hbm>> -> memref<1x32xf32, #tpu.memory_space<hbm>>
      %dma_start3A_372 = arith.constant 0 : i32
      %dma_start3A_373 = tpu.memref_slice %arg3[%squeeze3A_362, %dma_start3A_372] : memref<1000001x32xf32, #tpu.memory_space<hbm>> -> memref<1x32xf32, #tpu.memory_space<hbm>>
      tpu.enqueue_dma source(%dma_start3A_373 : memref<1x32xf32, #tpu.memory_space<hbm>>) target(%dma_start3A_371 : memref<1x32xf32, #tpu.memory_space<hbm>>) target_semaphore(%arg7 : memref<!tpu.dma_semaphore, #tpu.memory_space<semaphore_mem>>)
      %slice3A_374 = vector.extract_strided_slice %get3A_256 {offsets = [9], sizes = [1], strides = [1]} : vector<16xi32> to vector<1xi32>
      %squeeze3A_375 = vector.extract %slice3A_374[0] : i32 from vector<1xi32>
      %mul3A_376 = arith.constant 16 : i32
      %mul3A_377 = arith.muli %scan3A_24, %mul3A_376 : i32
      %add3A_378 = arith.constant 256 : i32
      %add3A_379 = arith.addi %add3A_378, %mul3A_377 : i32
      %add3A_380 = arith.constant 9 : i32
      %add3A_381 = arith.addi %add3A_379, %add3A_380 : i32
      %add3A_382 = arith.addi %mul3A_2, %add3A_381 : i32
      %dma_start3A_383 = arith.constant 0 : i32
      %dma_start3A_384 = tpu.memref_slice %arg4[%add3A_382, %dma_start3A_383] : memref<16384x32xf32, #tpu.memory_space<hbm>> -> memref<1x32xf32, #tpu.memory_space<hbm>>
      %dma_start3A_385 = arith.constant 0 : i32
      %dma_start3A_386 = tpu.memref_slice %arg3[%squeeze3A_375, %dma_start3A_385] : memref<1000001x32xf32, #tpu.memory_space<hbm>> -> memref<1x32xf32, #tpu.memory_space<hbm>>
      tpu.enqueue_dma source(%dma_start3A_386 : memref<1x32xf32, #tpu.memory_space<hbm>>) target(%dma_start3A_384 : memref<1x32xf32, #tpu.memory_space<hbm>>) target_semaphore(%arg7 : memref<!tpu.dma_semaphore, #tpu.memory_space<semaphore_mem>>)
      %slice3A_387 = vector.extract_strided_slice %get3A_256 {offsets = [10], sizes = [1], strides = [1]} : vector<16xi32> to vector<1xi32>
      %squeeze3A_388 = vector.extract %slice3A_387[0] : i32 from vector<1xi32>
      %mul3A_389 = arith.constant 16 : i32
      %mul3A_390 = arith.muli %scan3A_24, %mul3A_389 : i32
      %add3A_391 = arith.constant 256 : i32
      %add3A_392 = arith.addi %add3A_391, %mul3A_390 : i32
      %add3A_393 = arith.constant 10 : i32
      %add3A_394 = arith.addi %add3A_392, %add3A_393 : i32
      %add3A_395 = arith.addi %mul3A_2, %add3A_394 : i32
      %dma_start3A_396 = arith.constant 0 : i32
      %dma_start3A_397 = tpu.memref_slice %arg4[%add3A_395, %dma_start3A_396] : memref<16384x32xf32, #tpu.memory_space<hbm>> -> memref<1x32xf32, #tpu.memory_space<hbm>>
      %dma_start3A_398 = arith.constant 0 : i32
      %dma_start3A_399 = tpu.memref_slice %arg3[%squeeze3A_388, %dma_start3A_398] : memref<1000001x32xf32, #tpu.memory_space<hbm>> -> memref<1x32xf32, #tpu.memory_space<hbm>>
      tpu.enqueue_dma source(%dma_start3A_399 : memref<1x32xf32, #tpu.memory_space<hbm>>) target(%dma_start3A_397 : memref<1x32xf32, #tpu.memory_space<hbm>>) target_semaphore(%arg7 : memref<!tpu.dma_semaphore, #tpu.memory_space<semaphore_mem>>)
      %slice3A_400 = vector.extract_strided_slice %get3A_256 {offsets = [11], sizes = [1], strides = [1]} : vector<16xi32> to vector<1xi32>
      %squeeze3A_401 = vector.extract %slice3A_400[0] : i32 from vector<1xi32>
      %mul3A_402 = arith.constant 16 : i32
      %mul3A_403 = arith.muli %scan3A_24, %mul3A_402 : i32
      %add3A_404 = arith.constant 256 : i32
      %add3A_405 = arith.addi %add3A_404, %mul3A_403 : i32
      %add3A_406 = arith.constant 11 : i32
      %add3A_407 = arith.addi %add3A_405, %add3A_406 : i32
      %add3A_408 = arith.addi %mul3A_2, %add3A_407 : i32
      %dma_start3A_409 = arith.constant 0 : i32
      %dma_start3A_410 = tpu.memref_slice %arg4[%add3A_408, %dma_start3A_409] : memref<16384x32xf32, #tpu.memory_space<hbm>> -> memref<1x32xf32, #tpu.memory_space<hbm>>
      %dma_start3A_411 = arith.constant 0 : i32
      %dma_start3A_412 = tpu.memref_slice %arg3[%squeeze3A_401, %dma_start3A_411] : memref<1000001x32xf32, #tpu.memory_space<hbm>> -> memref<1x32xf32, #tpu.memory_space<hbm>>
      tpu.enqueue_dma source(%dma_start3A_412 : memref<1x32xf32, #tpu.memory_space<hbm>>) target(%dma_start3A_410 : memref<1x32xf32, #tpu.memory_space<hbm>>) target_semaphore(%arg7 : memref<!tpu.dma_semaphore, #tpu.memory_space<semaphore_mem>>)
      %slice3A_413 = vector.extract_strided_slice %get3A_256 {offsets = [12], sizes = [1], strides = [1]} : vector<16xi32> to vector<1xi32>
      %squeeze3A_414 = vector.extract %slice3A_413[0] : i32 from vector<1xi32>
      %mul3A_415 = arith.constant 16 : i32
      %mul3A_416 = arith.muli %scan3A_24, %mul3A_415 : i32
      %add3A_417 = arith.constant 256 : i32
      %add3A_418 = arith.addi %add3A_417, %mul3A_416 : i32
      %add3A_419 = arith.constant 12 : i32
      %add3A_420 = arith.addi %add3A_418, %add3A_419 : i32
      %add3A_421 = arith.addi %mul3A_2, %add3A_420 : i32
      %dma_start3A_422 = arith.constant 0 : i32
      %dma_start3A_423 = tpu.memref_slice %arg4[%add3A_421, %dma_start3A_422] : memref<16384x32xf32, #tpu.memory_space<hbm>> -> memref<1x32xf32, #tpu.memory_space<hbm>>
      %dma_start3A_424 = arith.constant 0 : i32
      %dma_start3A_425 = tpu.memref_slice %arg3[%squeeze3A_414, %dma_start3A_424] : memref<1000001x32xf32, #tpu.memory_space<hbm>> -> memref<1x32xf32, #tpu.memory_space<hbm>>
      tpu.enqueue_dma source(%dma_start3A_425 : memref<1x32xf32, #tpu.memory_space<hbm>>) target(%dma_start3A_423 : memref<1x32xf32, #tpu.memory_space<hbm>>) target_semaphore(%arg7 : memref<!tpu.dma_semaphore, #tpu.memory_space<semaphore_mem>>)
      %slice3A_426 = vector.extract_strided_slice %get3A_256 {offsets = [13], sizes = [1], strides = [1]} : vector<16xi32> to vector<1xi32>
      %squeeze3A_427 = vector.extract %slice3A_426[0] : i32 from vector<1xi32>
      %mul3A_428 = arith.constant 16 : i32
      %mul3A_429 = arith.muli %scan3A_24, %mul3A_428 : i32
      %add3A_430 = arith.constant 256 : i32
      %add3A_431 = arith.addi %add3A_430, %mul3A_429 : i32
      %add3A_432 = arith.constant 13 : i32
      %add3A_433 = arith.addi %add3A_431, %add3A_432 : i32
      %add3A_434 = arith.addi %mul3A_2, %add3A_433 : i32
      %dma_start3A_435 = arith.constant 0 : i32
      %dma_start3A_436 = tpu.memref_slice %arg4[%add3A_434, %dma_start3A_435] : memref<16384x32xf32, #tpu.memory_space<hbm>> -> memref<1x32xf32, #tpu.memory_space<hbm>>
      %dma_start3A_437 = arith.constant 0 : i32
      %dma_start3A_438 = tpu.memref_slice %arg3[%squeeze3A_427, %dma_start3A_437] : memref<1000001x32xf32, #tpu.memory_space<hbm>> -> memref<1x32xf32, #tpu.memory_space<hbm>>
      tpu.enqueue_dma source(%dma_start3A_438 : memref<1x32xf32, #tpu.memory_space<hbm>>) target(%dma_start3A_436 : memref<1x32xf32, #tpu.memory_space<hbm>>) target_semaphore(%arg7 : memref<!tpu.dma_semaphore, #tpu.memory_space<semaphore_mem>>)
      %slice3A_439 = vector.extract_strided_slice %get3A_256 {offsets = [14], sizes = [1], strides = [1]} : vector<16xi32> to vector<1xi32>
      %squeeze3A_440 = vector.extract %slice3A_439[0] : i32 from vector<1xi32>
      %mul3A_441 = arith.constant 16 : i32
      %mul3A_442 = arith.muli %scan3A_24, %mul3A_441 : i32
      %add3A_443 = arith.constant 256 : i32
      %add3A_444 = arith.addi %add3A_443, %mul3A_442 : i32
      %add3A_445 = arith.constant 14 : i32
      %add3A_446 = arith.addi %add3A_444, %add3A_445 : i32
      %add3A_447 = arith.addi %mul3A_2, %add3A_446 : i32
      %dma_start3A_448 = arith.constant 0 : i32
      %dma_start3A_449 = tpu.memref_slice %arg4[%add3A_447, %dma_start3A_448] : memref<16384x32xf32, #tpu.memory_space<hbm>> -> memref<1x32xf32, #tpu.memory_space<hbm>>
      %dma_start3A_450 = arith.constant 0 : i32
      %dma_start3A_451 = tpu.memref_slice %arg3[%squeeze3A_440, %dma_start3A_450] : memref<1000001x32xf32, #tpu.memory_space<hbm>> -> memref<1x32xf32, #tpu.memory_space<hbm>>
      tpu.enqueue_dma source(%dma_start3A_451 : memref<1x32xf32, #tpu.memory_space<hbm>>) target(%dma_start3A_449 : memref<1x32xf32, #tpu.memory_space<hbm>>) target_semaphore(%arg7 : memref<!tpu.dma_semaphore, #tpu.memory_space<semaphore_mem>>)
      %slice3A_452 = vector.extract_strided_slice %get3A_256 {offsets = [15], sizes = [1], strides = [1]} : vector<16xi32> to vector<1xi32>
      %squeeze3A_453 = vector.extract %slice3A_452[0] : i32 from vector<1xi32>
      %mul3A_454 = arith.constant 16 : i32
      %mul3A_455 = arith.muli %scan3A_24, %mul3A_454 : i32
      %add3A_456 = arith.constant 256 : i32
      %add3A_457 = arith.addi %add3A_456, %mul3A_455 : i32
      %add3A_458 = arith.constant 15 : i32
      %add3A_459 = arith.addi %add3A_457, %add3A_458 : i32
      %add3A_460 = arith.addi %mul3A_2, %add3A_459 : i32
      %dma_start3A_461 = arith.constant 0 : i32
      %dma_start3A_462 = tpu.memref_slice %arg4[%add3A_460, %dma_start3A_461] : memref<16384x32xf32, #tpu.memory_space<hbm>> -> memref<1x32xf32, #tpu.memory_space<hbm>>
      %dma_start3A_463 = arith.constant 0 : i32
      %dma_start3A_464 = tpu.memref_slice %arg3[%squeeze3A_453, %dma_start3A_463] : memref<1000001x32xf32, #tpu.memory_space<hbm>> -> memref<1x32xf32, #tpu.memory_space<hbm>>
      tpu.enqueue_dma source(%dma_start3A_464 : memref<1x32xf32, #tpu.memory_space<hbm>>) target(%dma_start3A_462 : memref<1x32xf32, #tpu.memory_space<hbm>>) target_semaphore(%arg7 : memref<!tpu.dma_semaphore, #tpu.memory_space<semaphore_mem>>)
    }
    %scan3A_7 = arith.constant 16 : i32
    %dma_wait3A = arith.constant 0 : i32
    %dma_wait3A_8 = arith.constant 0 : i32
    %dma_wait3A_9 = tpu.memref_slice %arg6[%dma_wait3A, %dma_wait3A_8] : memref<512x32xf32, #tpu.memory_space<vmem>> -> memref<256x32xf32, #tpu.memory_space<vmem>>
    %dma_wait3A_10 = arith.constant 0 : i32
    %dma_wait3A_11 = arith.constant 0 : i32
    %dma_wait3A_12 = tpu.memref_slice %arg3[%dma_wait3A_10, %dma_wait3A_11] : memref<1000001x32xf32, #tpu.memory_space<hbm>> -> memref<256x32xf32, #tpu.memory_space<hbm>>
    %dma_wait3A_13 = arith.constant 0 : i32
    %dma_wait3A_14 = arith.constant 0 : i32
    %dma_wait3A_15 = tpu.memref_slice %arg6[%dma_wait3A_13, %dma_wait3A_14] : memref<512x32xf32, #tpu.memory_space<vmem>> -> memref<256x32xf32, #tpu.memory_space<vmem>>
    %dma_wait3A_16 = arith.constant 0 : i32
    %dma_wait3A_17 = arith.constant 0 : i32
    %dma_wait3A_18 = tpu.memref_slice %arg3[%dma_wait3A_16, %dma_wait3A_17] : memref<1000001x32xf32, #tpu.memory_space<hbm>> -> memref<256x32xf32, #tpu.memory_space<hbm>>
    tpu.wait_dma2 semaphore(%arg7 : memref<!tpu.dma_semaphore, #tpu.memory_space<semaphore_mem>>) src(%dma_wait3A_18 : memref<256x32xf32, #tpu.memory_space<hbm>>) dst(%dma_wait3A_15 : memref<256x32xf32, #tpu.memory_space<vmem>>)
    %dma_wait3A_19 = arith.constant 0 : i32
    %dma_wait3A_20 = tpu.memref_slice %arg4[%mul3A_2, %dma_wait3A_19] : memref<16384x32xf32, #tpu.memory_space<hbm>> -> memref<256x32xf32, #tpu.memory_space<hbm>>
    %dma_wait3A_21 = arith.constant 0 : i32
    %dma_wait3A_22 = arith.constant 0 : i32
    %dma_wait3A_23 = tpu.memref_slice %arg3[%dma_wait3A_21, %dma_wait3A_22] : memref<1000001x32xf32, #tpu.memory_space<hbm>> -> memref<256x32xf32, #tpu.memory_space<hbm>>
    tpu.wait_dma2 semaphore(%arg7 : memref<!tpu.dma_semaphore, #tpu.memory_space<semaphore_mem>>) src(%dma_wait3A_23 : memref<256x32xf32, #tpu.memory_space<hbm>>) dst(%dma_wait3A_20 : memref<256x32xf32, #tpu.memory_space<hbm>>)
    "tpu.region"() ({
      %run_scoped3A = tpu.sem_alloc : memref<!tpu.dma_semaphore, #tpu.memory_space<semaphore_mem>>
      %dma_start3A = arith.constant 0 : i32
      %dma_start3A_24 = arith.constant 0 : i32
      %dma_start3A_25 = tpu.memref_slice %arg6[%dma_start3A, %dma_start3A_24] : memref<512x32xf32, #tpu.memory_space<vmem>> -> memref<256x32xf32, #tpu.memory_space<vmem>>
      %dma_start3A_26 = arith.constant 0 : i32
      %dma_start3A_27 = tpu.memref_slice %arg4[%mul3A_2, %dma_start3A_26] : memref<16384x32xf32, #tpu.memory_space<hbm>> -> memref<256x32xf32, #tpu.memory_space<hbm>>
      %dma_start3A_28 = arith.constant 0 : i32
      %dma_start3A_29 = tpu.memref_slice %arg4[%mul3A_2, %dma_start3A_28] : memref<16384x32xf32, #tpu.memory_space<hbm>> -> memref<256x32xf32, #tpu.memory_space<hbm>>
      %dma_start3A_30 = arith.constant 0 : i32
      %dma_start3A_31 = arith.constant 0 : i32
      %dma_start3A_32 = tpu.memref_slice %arg6[%dma_start3A_30, %dma_start3A_31] : memref<512x32xf32, #tpu.memory_space<vmem>> -> memref<256x32xf32, #tpu.memory_space<vmem>>
      tpu.enqueue_dma source(%dma_start3A_32 : memref<256x32xf32, #tpu.memory_space<vmem>>) target(%dma_start3A_29 : memref<256x32xf32, #tpu.memory_space<hbm>>) target_semaphore(%run_scoped3A : memref<!tpu.dma_semaphore, #tpu.memory_space<semaphore_mem>>)
      %dma_wait3A_33 = arith.constant 0 : i32
      %dma_wait3A_34 = arith.constant 0 : i32
      %dma_wait3A_35 = tpu.memref_slice %arg6[%dma_wait3A_33, %dma_wait3A_34] : memref<512x32xf32, #tpu.memory_space<vmem>> -> memref<256x32xf32, #tpu.memory_space<vmem>>
      %dma_wait3A_36 = arith.constant 0 : i32
      %dma_wait3A_37 = tpu.memref_slice %arg4[%mul3A_2, %dma_wait3A_36] : memref<16384x32xf32, #tpu.memory_space<hbm>> -> memref<256x32xf32, #tpu.memory_space<hbm>>
      %dma_wait3A_38 = arith.constant 0 : i32
      %dma_wait3A_39 = tpu.memref_slice %arg4[%mul3A_2, %dma_wait3A_38] : memref<16384x32xf32, #tpu.memory_space<hbm>> -> memref<256x32xf32, #tpu.memory_space<hbm>>
      %dma_wait3A_40 = arith.constant 0 : i32
      %dma_wait3A_41 = arith.constant 0 : i32
      %dma_wait3A_42 = tpu.memref_slice %arg6[%dma_wait3A_40, %dma_wait3A_41] : memref<512x32xf32, #tpu.memory_space<vmem>> -> memref<256x32xf32, #tpu.memory_space<vmem>>
      tpu.wait_dma2 semaphore(%run_scoped3A : memref<!tpu.dma_semaphore, #tpu.memory_space<semaphore_mem>>) src(%dma_wait3A_42 : memref<256x32xf32, #tpu.memory_space<vmem>>) dst(%dma_wait3A_39 : memref<256x32xf32, #tpu.memory_space<hbm>>)
      tpu.yield
    }) : () -> ()
    return
  }
}

</mosaic_0001>

<sc_bundles>
// kernel: kernel.3.cloned.1.call-start
scs
__scs_entry_jumppad:
0x0: {  	(pc) =	sbr.rel $0x88, $3  }
0x1: {  	(tag) =	ssettag $0x0;
	lr =	simm.s32 $0x1  }
0x2: {  	[smem:$0x3F9F] =	sst lr;
	_ =	strace $0xD0000000  }
0x3: {  	_ = 	snop  }
0x4: {  	_ = 	snop  }
0x5: {  	_ = 	snop  }
0x6: {  	_ = 	snop  }
0x7: {  	_ = 	snop  }
__scs_overlays_trampoline_lowered:
0x8: {  	[smem:$0x3FAE] =	sst s0  }
0x9: {  	[smem:$0x3FAF] =	sst s1  }
0xa: {  	[smem:$0x3FB0] =	sst s2  }
0xb: {  	[smem:$0x3FB1] =	sst s3  }
0xc: {  	[smem:$0x3FB2] =	sst s4  }
0xd: {  	[smem:$0x3FB3] =	sst s5  }
0xe: {  	[smem:$0x3FB4] =	sst s6  }
0xf: {  	[smem:$0x3FB5] =	sst s7  }
0x10: {  	[smem:$0x3FB6] =	sst s8  }
0x11: {  	[smem:$0x3FB7] =	sst s9;
	s0 =	simm.s32 @!p0 $0x0  }
0x12: {  	s1 =	sld [smem:$0x3F9D];
	s0 =	simm.s32 @p0 $0x1  }
0x13: {  	[smem:$0x3FB8] =	sst s0;
	s0 =	simm.s32 @!p1 $0x0  }
0x14: {  	s2 =	sld [smem:$0x3F9C];
	s0 =	simm.s32 @p1 $0x1  }
0x15: {  	[smem:$0x3FB9] =	sst s0;
	s0 =	simm.s32 @!p2 $0x0  }
0x16: {  	s3 =	sld [smem:$0x3FDB];
	s0 =	simm.s32 @p2 $0x1  }
0x17: {  	s4 =	simm.s32 $0x1BF5;
	[smem:$0x3FBB] =	sst s0  }
0x18: {  	s0 =	sld [smem:$0x3F9E];
	_ =	swait.ge [sflag:s4], $0x0  }
0x19: {  	s7 =	sld [smem:$0x3F9F]  }
0x1a: {  	s8 =	sadd.s32 $0xFFFFE003, lr  }
0x1b: {  	s9 =	sadd.s32 $0xFFFFFEF7, lr;
	s5 =	simm.s32 $0xFFFFFFFF;
	p2 =	slt.u32 s8, $0xFFFFF086  }
0x1c: {  	p1 =	slt.u32 s9, $0xF7A;
	s5 =	simm.s32 @!p2 $0x0  }
0x1d: {  	s5 =	simm.s32 @p1 $0x1;
	p0 =	seq.s32 s7, s2  }
0x1e: {  	s7 =	smul.u32 @!p0 $0xF7A, s2;
	p2 =	seq.s32 @!p0 s5, $0x0  }
0x1f: {  	s9 =	smul.u32 $0xF7A, s1;
	s8 =	simm.s32 @!p0 $0x1BF5;
	p2 =	por !p2, p0  }
0x20: {  	[sflag:s8] =	ssyncset.s32 @!p0 $0xFFFFF086;
	s6 =	sadd.s32 @!p0 s3, s7;
	s7 =	simm.s32 @!p0 $0x108  }
0x21: {  	s3 =	sadd.s32 s3, s9;
	s6 =	sadd.s32 @!p0 $0x88, s6;
	s7 =	simm.s32 @p2 $0x1082  }
0x22: {  	[simem:s7], [sflag:s8] =	dma.local @!p0 [hbm:s6], $0xF7A  }
0x23: {  	s9 =	sor.u32 $0xD0000000, s2;
	s6 =	simm.s32 $0x108;
	_ =	swait.ge @!p0 [sflag:s8], $0x0  }
0x24: {  	s3 =	sadd.s32 $0x88, s3;
	s6 =	simm.s32 @!p1 $0x1082;
	[sflag:s4] =	ssyncset.s32 $0xFFFFF086  }
0x25: {  	[simem:s6], [sflag:s4] =	dma.local [hbm:s3], $0xF7A  }
0x26: {  	[smem:$0x3F9F] =	sst s1;
	(tag) =	ssettag s2;
	_ =	strace s9  }
0x27: {  	s1 =	sld [smem:$0x3FAF]  }
0x28: {  	s2 =	sld [smem:$0x3FB0]  }
0x29: {  	s4 =	sld [smem:$0x3FB2]  }
0x2a: {  	p0 =	seq.s32 s5, $0x0;
	s5 =	sld [smem:$0x3FB3]  }
0x2b: {  	s6 =	sld [smem:$0x3FB4]  }
0x2c: {  	s7 =	sld [smem:$0x3FB5]  }
0x2d: {  	s3 =	simm.s32 $0x108;
	s8 =	sld [smem:$0x3FB6]  }
0x2e: {  	s3 =	simm.s32 @!p0 $0x1082;
	s9 =	sld [smem:$0x3FB7]  }
0x2f: {  	lr =	sadd.s32 s0, s3;
	s0 =	sld [smem:$0x3FAE]  }
0x30: {  	s3 =	sld [smem:$0x3FB1]  }
0x31: {  	[smem:$0x3FBA] =	sst s10  }
0x32: {  	s10 =	sld [smem:$0x3FB8];
	_ =	sdelay $0x3  }
0x33: {  	p0 =	seq.s32 s10, $0x1;
	s10 =	sld [smem:$0x3FBA];
	_ =	sdelay $0x3  }
0x34: {  	[smem:$0x3FBA] =	sst s10  }
0x35: {  	s10 =	sld [smem:$0x3FB9];
	_ =	sdelay $0x3  }
0x36: {  	p1 =	seq.s32 s10, $0x1;
	s10 =	sld [smem:$0x3FBA];
	_ =	sdelay $0x3  }
0x37: {  	[smem:$0x3FBA] =	sst s10  }
0x38: {  	s10 =	sld [smem:$0x3FBB]  }
0x39: {  	_ = 	snop;
	(pc) =	sbr.ind lr, $3  }
0x3a: {  	_ = 	snop  }
0x3b: {  	_ = 	snop  }
0x3c: {  	p2 =	seq.s32 s10, $0x1;
	s10 =	sld [smem:$0x3FBA]  }
0x3d: {  	_ =	shalt  }
0x3e: {  	_ =	shalt  }
0x3f: {  	_ =	shalt  }
0x40: {  	_ =	shalt  }
0x41: {  	_ =	shalt  }
0x42: {  	_ =	shalt  }
0x43: {  	_ =	shalt  }
0x44: {  	_ =	shalt  }
0x45: {  	_ =	shalt  }
0x46: {  	_ =	shalt  }
0x47: {  	_ =	shalt  }
0x48: {  	_ =	shalt  }
0x49: {  	_ =	shalt  }
0x4a: {  	_ =	shalt  }
0x4b: {  	_ =	shalt  }
0x4c: {  	_ =	shalt  }
0x4d: {  	_ =	shalt  }
0x4e: {  	_ =	shalt  }
0x4f: {  	_ =	shalt  }
0x50: {  	_ =	shalt  }
0x51: {  	_ =	shalt  }
0x52: {  	_ =	shalt  }
0x53: {  	_ =	shalt  }
0x54: {  	_ =	shalt  }
0x55: {  	_ =	shalt  }
0x56: {  	_ =	shalt  }
0x57: {  	_ =	shalt  }
0x58: {  	_ =	shalt  }
0x59: {  	_ =	shalt  }
0x5a: {  	_ =	shalt  }
0x5b: {  	_ =	shalt  }
0x5c: {  	_ =	shalt  }
0x5d: {  	_ =	shalt  }
0x5e: {  	_ =	shalt  }
0x5f: {  	_ =	shalt  }
0x60: {  	_ =	shalt  }
0x61: {  	_ =	shalt  }
0x62: {  	_ =	shalt  }
0x63: {  	_ =	shalt  }
0x64: {  	_ =	shalt  }
0x65: {  	_ =	shalt  }
0x66: {  	_ =	shalt  }
0x67: {  	_ =	shalt  }
0x68: {  	_ =	shalt  }
0x69: {  	_ =	shalt  }
0x6a: {  	_ =	shalt  }
0x6b: {  	_ =	shalt  }
0x6c: {  	_ =	shalt  }
0x6d: {  	_ =	shalt  }
0x6e: {  	_ =	shalt  }
0x6f: {  	_ =	shalt  }
0x70: {  	_ =	shalt  }
0x71: {  	_ =	shalt  }
0x72: {  	_ =	shalt  }
0x73: {  	_ =	shalt  }
0x74: {  	_ =	shalt  }
0x75: {  	_ =	shalt  }
0x76: {  	_ =	shalt  }
0x77: {  	_ =	shalt  }
0x78: {  	_ =	shalt  }
0x79: {  	_ =	shalt  }
0x7a: {  	_ =	shalt  }
0x7b: {  	_ =	shalt  }
0x7c: {  	_ =	shalt  }
0x7d: {  	_ =	shalt  }
0x7e: {  	_ =	shalt  }
0x7f: {  	_ =	shalt  }
0x80: {  	_ =	shalt  }
0x81: {  	_ =	shalt  }
0x82: {  	_ =	shalt  }
0x83: {  	_ =	shalt  }
0x84: {  	_ =	shalt  }
0x85: {  	_ =	shalt  }
0x86: {  	_ =	shalt  }
0x87: {  	_ =	shalt  }
.Lfunc_end0:
.L_simem_size_0:
called_computation_lowered:
.L_overlay_start_0:
0x88: {  	s2 =	sld [smem:$0x3FD9]  }
0x89: {  	s3 =	sld [smem:$0x3FFE];
	_ =	sdelay $0x1  }
0x8a: {  	s1 =	srdreg.scid  }
0x8b: {  	s0 =	sand.u32 $0x1, s1  }
0x8c: {  	s17 =	sshll.u32 s0, $0xA;
	s2 =	sadd.s32 s3, s2  }
0x8d: {  	s2 =	sadd.s32 s2, s17  }
0x8e: {  	[smem:$0x3FC6] =	sst s2  }
0x8f: {  	_ = 	snop  }
0x90: {  	s2 =	sld [smem:$0x3FC9];
	(tm) =	ssettm $0x1  }
0x91: {  	s18 =	sld [smem:$0x3FFB];
	_ =	sdelay $0x3  }
0x92: {  	_ =	strace s18  }
0x93: {  	s3 =	sld [smem:$0x3FFC];
	_ =	sdelay $0x3  }
0x94: {  	_ =	strace s3  }
0x95: {  	s3 =	sld [smem:$0x3FFD];
	_ =	sdelay $0x3  }
0x96: {  	_ =	strace s3  }
0x97: {  	_ =	strace $0x8FFFFFFF  }
0x98: {  	s19 =	sld [smem:$0x3FDB];
	_ =	sdelay $0x1  }
0x99: {  	s4 =	simm.s32 $_scs_section_size  }
0x9a: {  	s5 =	simm.s32 $_size__tile_overlayer_lowered;
	s6 =	simm.s32 $_tile_overlayer_lowered  }
0x9b: {  	s22 =	simm.s32 $0x1BFF;
	s21 =	sshll.u32 s6, $0x1;
	s3 =	sadd.s32 s4, s19  }
0x9c: {  	s7 =	simm.s32 $0x0;
	s20 =	sshll.u32 s5, $0x1;
	s5 =	sadd.s32 s21, s3  }
0x9d: {  	[timem:s7], [sflag:s22] =	dma.local [hbm:s5], s20  }
0x9e: {  	_ =	swait.ge [sflag:s22], s20  }
0x9f: {  	s4 =	ssub.s32 $0x0, s20;
	[sflag:s22] =	ssyncset.done $0x0  }
0xa0: {  	[sflag:s22] =	ssyncadd.s32 s4;
	_ =	sdelay $0x1  }
0xa1: {  	s23 =	simm.s32 $0x1B8B  }
0xa2: {  	_ =	swait.ge [sflag:s23], $0x1  }
0xa3: {  	[sflag:s23] =	ssyncset.done $0x0  }
0xa4: {  	s25 =	simm.s32 $0x1B8E;
	s24 =	sld [smem:$0x3FFE];
	[sflag:s23] =	ssyncadd.s32 $0xFFFFFFFF  }
0xa5: {  	s26 =	simm.s32 $execute0_lowered;
	[smem:$0x3FD2] =	sst s25  }
0xa6: {  	s5 =	sshll.u32 s26, $0x1;
	_ =	strace $0x80000046;
	[dreg:$0x1] =	wrdreg $0xFFFFFFFF  }
0xa7: {  	s28 =	simm.s32 $_size_execute0_lowered;
	s3 =	sadd.s32 s3, s5;
	[dreg:$0x0] =	wrdreg $0x0  }
0xa8: {  	s5 =	sshll.u32 s28, $0x1;
	[dreg:$0x2] =	wrdreg s3  }
0xa9: {  	[dreg:$0x3] =	wrdreg s5  }
0xaa: {  	[dreg:$0x4] =	wrdreg $0xC0  }
0xab: {  	_ =	task [dreg:s7], $0x5FFFF  }
0xac: {  	[dreg:$0x1] =	wrdreg $0xFFFFFFFF  }
0xad: {  	[dreg:$0x0] =	wrdreg $0x60  }
0xae: {  	[dreg:$0x2] =	wrdreg s2  }
0xaf: {  	[dreg:$0x3] =	wrdreg s24  }
0xb0: {  	[dreg:$0x4] =	wrdreg $0x9  }
0xb1: {  	_ =	task.clear_ibuf [dreg:s7], $0x5FFFF;
	_ =	strace $0x90000046  }
0xb2: {  	s29 =	simm.s32 $0x9;
	_ =	strace $0x80000048  }
0xb3: {  	_ =	swait.ge [sflag:s29], $0x1  }
0xb4: {  	[sflag:s29] =	ssyncadd.s32 $0xFFFFFFFF  }
0xb5: {  	_ =	strace $0x90000048  }
0xb6: {  	_ =	sfence  }
0xb7: {  	s30 =	sld [smem:$0x0];
	_ =	sdelay $0x2  }
0xb8: {  	s31 =	sshll.u32 s1, $0xD;
	s1 =	sshrl.u32 s1, $0x2  }
0xb9: {  	s3 =	sand.u32 $0x4000, s31;
	s1 =	sadd.s32 s1, s30  }
0xba: {  	s0 =	sor.u32 s3, s0;
	s1 =	sshll.u32 s1, $0x11  }
0xbb: {  	s0 =	sor.u32 s1, s0  }
0xbc: {  	s0 =	sadd.s32 $0x8F2B, s0  }
0xbd: {  	[sflag:s0] =	ssyncadd.remote.s32 $0x1  }
0xbe: {  	_ =	sfence.sel $0xFFFF  }
0xbf: {  	[dreg:$0x0] =	wrdreg $0xFFFFFFFF;
	(pc) =	sbr.abs _section_cstart, $3  }
0xc0: {  	[dreg:$0x1] =	wrdreg $0xFFFFFFFF  }
0xc1: {  	_ =	task.clear_ibuf [dreg:s7], $0x2FFFF;
	_ =	strace $0x9FFFFFFF  }
0xc2: {  	(tm) =	ssettm $0x7FFFFFFF  }
0xc3: {  	_ =	shalt  }
tec
execute0_lowered:
.L_overlay_start_1:
0x0: {  	(tag) =	ssettag $0x1  }
0x1: {  	s4 =	rddreg [dreg:$0x0]  }
0x2: {  	s5 =	rddreg [dreg:$0x1];
	s0 =	simm.s32 $0x0;
	s3 =	srdreg.scid  }
0x3: {  	s20 =	stileid.u32;
	s2 =	simm.s32 $0x2;
	[smem:$0x7FF] =	sst s0  }
0x4: {  	s6 =	sand.u32 $0x1, s3;
	s8 =	sshll.u32 s20, $0xA;
	s3 =	sadd.s32 $0x400, s5  }
0x5: {  	s21 =	sadd.s32 $0xF42A00, s5;
	s24 =	sshll.u32 s20, $0xE;
	s9 =	sshll.u32 s6, $0x9  }
0x6: {  	_ =	strace $0x80000047;
	s7 =	ssub.s32 $0x2, s6;
	s8 =	sor.u32 s9, s8  }
0x7: {  	s26 =	sshll.u32 s6, $0xD;
	s10 =	sshrl.u32 s7, $0x1;
	s22 =	sshrl.u32 s8, $0x3  }
0x8: {  	s7 =	ssub.s32 s7, s10;
	s23 =	sshll.u32 s8, $0x4;
	s1 =	sadd.s32 s4, s22  }
0x9: {  	s8 =	sadd.s32 s24, s21;
	s25 =	sadd.s32 s21, s23;
	[dreg:$0x9] =	wrdreg s1  }
0xa: {  	s28 =	smax.u32 s7, $0x1;
	s29 =	sadd.s32 s26, s8;
	[dreg:$0xa] =	wrdreg s25  }
0xb: {  	s30 =	sshll.u32 s20, $0x6;
	[dreg:$0xb] =	wrdreg s28;
	s31 =	sadd.s32 $0x10F0, s29  }
0xc: {  	s16 =	sor.u32 $0x1C01, s30;
	s1 =	simm.s32 $0x0;
	[dreg:$0xc] =	wrdreg s31  }
.LBB2_1:
0xd: {  	[dreg:$0xd] =	wrdreg s1  }
0xe: {  	s0 =	simm.s32 $0x0;
	s7 =	rddreg [dreg:$0x9]  }
0xf: {  	[tilespmem:s0], [sflag:$0x2] =	stream.linear.gather [hbm4b:s7+s0], $0x200, $0x38;
	[tilespmem:$0x10200] =	vst v63  }
0x10: {  	_ =	swait.ge [sflag:s2], $0x200  }
0x11: {  	[sflag:s2] =	ssyncset.done $0x0  }
0x12: {  	[sflag:s2] =	ssyncadd.s32 $0xFFFFFE00  }
0x13: {  	v0 =	vld [tilespmem:s0+$0x0];
	_ =	sdelay $0x4  }
0x14: {  	v0 =	vshll.u32 v0, $0x4  }
0x15: {  	(v2sf) =	vpush v0, $0x3  }
0x16: {  	(v2sf) =	vpush v0, $0x2  }
0x17: {  	(v2sf) =	vpush v0, $0x1  }
0x18: {  	(v2sf) =	vpush v0, $0x0;
	_ =	sdelay $0x1  }
0x19: {  	(v2sf) =	vpush v0, $0x4;
	_ =	sdelay $0x1  }
0x1a: {  	(v2sf) =	vpush v0, $0x5;
	_ =	sdelay $0x1  }
0x1b: {  	(v2sf) =	vpush v0, $0x6;
	_ =	sdelay $0x1  }
0x1c: {  	(v2sf) =	vpush v0, $0x7;
	_ =	sdelay $0x1  }
0x1d: {  	s13 =	simm.s32 $0x100;
	s14 =	simm.s32 $0x300;
	s1 =	simm.s32 $0x500;
	(v2sf) =	vpush v0, $0x8  }
0x1e: {  	s17 =	simm.s32 $0x200;
	s19 =	simm.s32 $0x680;
	s20 =	simm.s32 $0x280  }
0x1f: {  	s22 =	simm.s32 $0x580;
	s24 =	simm.s32 $0x400;
	(v2sf) =	vpush v0, $0x9;
	s15 =	spop (v2sf)  }
0x20: {  	s26 =	simm.s32 $0x380;
	s28 =	simm.s32 $0x480;
	s18 =	spop (v2sf)  }
0x21: {  	s29 =	simm.s32 $0x600;
	s13 =	sand.u32 $0x180, s13;
	s21 =	spop (v2sf)  }
0x22: {  	s15 =	sand.u32 $0x1FFFFFF0, s15;
	s18 =	sand.u32 $0x1FFFFFF0, s18;
	s23 =	spop (v2sf)  }
0x23: {  	(v2sf) =	vpush v0, $0xA;
	s15 =	sadd.s32 s3, s15;
	s21 =	sand.u32 $0x1FFFFFF0, s21;
	s23 =	sand.u32 $0x1FFFFFF0, s23  }
0x24: {  	s18 =	sadd.s32 s3, s18;
	s25 =	spop (v2sf);
	s23 =	sadd.s32 s3, s23  }
0x25: {  	[tilespmem:s17], [sflag:$0x1] =	stream.linear.gather [hbm4b:s23+s0], $0x80, $0x38;
	[tilespmem:$0x10200] =	vst v63  }
0x26: {  	s8 =	sadd.s32 s3, s21;
	s25 =	sand.u32 $0x1FFFFFF0, s25;
	s30 =	spop (v2sf)  }
0x27: {  	(v2sf) =	vpush v0, $0xB;
	[tilespmem:s20], [sflag:$0x1] =	stream.linear.gather [hbm4b:s8+s0], $0x80, $0x38;
	[tilespmem:$0x10200] =	vst v63  }
0x28: {  	s9 =	sadd.s32 s3, s25;
	s10 =	spop (v2sf);
	s11 =	sand.u32 $0x1FFFFFF0, s30  }
0x29: {  	(v2sf) =	vpush v0, $0xC;
	[tilespmem:s14], [sflag:$0x1] =	stream.linear.gather [hbm4b:s18+s0], $0x80, $0x38;
	[tilespmem:$0x10200] =	vst v63  }
0x2a: {  	s12 =	spop (v2sf);
	s25 =	sadd.s32 s3, s11;
	s30 =	sand.u32 $0x1FFFFFF0, s10  }
0x2b: {  	(v2sf) =	vpush v0, $0xD;
	[tilespmem:s26], [sflag:$0x1] =	stream.linear.gather [hbm4b:s15+s0], $0x80, $0x38;
	[tilespmem:$0x10200] =	vst v63  }
0x2c: {  	s31 =	spop (v2sf);
	s2 =	sadd.s32 s3, s30;
	s4 =	sand.u32 $0x1FFFFFF0, s12  }
0x2d: {  	(v2sf) =	vpush v0, $0xE;
	[tilespmem:s24], [sflag:$0x1] =	stream.linear.gather [hbm4b:s9+s0], $0x80, $0x38;
	[tilespmem:$0x10200] =	vst v63  }
0x2e: {  	s5 =	spop (v2sf);
	s17 =	sadd.s32 s3, s4;
	s4 =	simm.s32 $0x800  }
0x2f: {  	(v2sf) =	vpush v0, $0xF;
	[tilespmem:s28], [sflag:$0x1] =	stream.linear.gather [hbm4b:s25+s0], $0x80, $0x38;
	[tilespmem:$0x10200] =	vst v63  }
0x30: {  	s18 =	sand.u32 $0x1FFFFFF0, s31;
	s8 =	sand.u32 $0x1FFFFFF0, s5;
	s31 =	simm.s32 $0x780  }
0x31: {  	[tilespmem:s1], [sflag:$0x1] =	stream.linear.gather [hbm4b:s2+s0], $0x80, $0x38;
	[tilespmem:$0x10200] =	vst v63  }
0x32: {  	s5 =	simm.s32 $0x880;
	s7 =	sadd.s32 s3, s18;
	s6 =	spop (v2sf)  }
0x33: {  	[tilespmem:s22], [sflag:$0x1] =	stream.linear.gather [hbm4b:s17+s0], $0x80, $0x38;
	[tilespmem:$0x10200] =	vst v63  }
0x34: {  	s10 =	sadd.s32 s3, s8;
	s26 =	simm.s32 $0x700;
	s11 =	sand.u32 $0x1FFFFFF0, s6  }
0x35: {  	[tilespmem:s29], [sflag:$0x1] =	stream.linear.gather [hbm4b:s7+s0], $0x80, $0x38;
	[tilespmem:$0x10200] =	vst v63  }
0x36: {  	s6 =	simm.s32 $0x0;
	s9 =	spop (v2sf);
	s1 =	sadd.s32 s3, s11  }
0x37: {  	[tilespmem:s19], [sflag:$0x1] =	stream.linear.gather [hbm4b:s10+s0], $0x80, $0x38;
	[tilespmem:$0x10200] =	vst v63  }
0x38: {  	s8 =	sand.u32 $0x70, s6;
	s12 =	spop (v2sf);
	s21 =	sand.u32 $0x1FFFFFF0, s9  }
0x39: {  	[tilespmem:s26], [sflag:$0x1] =	stream.linear.gather [hbm4b:s1+s0], $0x80, $0x38;
	[tilespmem:$0x10200] =	vst v63  }
0x3a: {  	s18 =	sand.u32 $0x1FFFFFF0, s12;
	s22 =	sadd.s32 s3, s21;
	s23 =	spop (v2sf)  }
0x3b: {  	[tilespmem:s31], [sflag:$0x1] =	stream.linear.gather [hbm4b:s22+s0], $0x80, $0x38;
	[tilespmem:$0x10200] =	vst v63  }
0x3c: {  	s18 =	sadd.s32 s3, s18;
	s24 =	sand.u32 $0x1FFFFFF0, s23;
	s25 =	spop (v2sf)  }
0x3d: {  	[tilespmem:s4], [sflag:$0x1] =	stream.linear.gather [hbm4b:s18+s0], $0x80, $0x38;
	[tilespmem:$0x10200] =	vst v63  }
0x3e: {  	s15 =	sadd.s32 s3, s24;
	s30 =	sand.u32 $0x1FFFFFF0, s25;
	s2 =	spop (v2sf)  }
0x3f: {  	[tilespmem:s5], [sflag:$0x1] =	stream.linear.gather [hbm4b:s15+s0], $0x80, $0x38;
	[tilespmem:$0x10200] =	vst v63  }
0x40: {  	s7 =	simm.s32 $0x900;
	s14 =	sand.u32 $0x1FFFFFF0, s2;
	s1 =	sadd.s32 s3, s30  }
0x41: {  	[tilespmem:s7], [sflag:$0x1] =	stream.linear.gather [hbm4b:s1+s0], $0x80, $0x38;
	[tilespmem:$0x10200] =	vst v63  }
0x42: {  	s9 =	simm.s32 $0x980;
	s13 =	sor.u32 s8, s13;
	s14 =	sadd.s32 s3, s14  }
0x43: {  	[tilespmem:s9], [sflag:$0x1] =	stream.linear.gather [hbm4b:s14+s0], $0x80, $0x38;
	[tilespmem:$0x10200] =	vst v63  }
0x44: {  	v63 =	vld [tilespmem:s13+$0x0];
	_ =	sdelay $0x4  }
0x45: {  	v0 =	vshll.u32 v63, $0x4  }
0x46: {  	(v2sf) =	vpush v0, $0x2  }
0x47: {  	(v2sf) =	vpush v0, $0x3  }
0x48: {  	(v2sf) =	vpush v0, $0x0  }
0x49: {  	(v2sf) =	vpush v0, $0x1  }
0x4a: {  	(v2sf) =	vpush v0, $0x4  }
0x4b: {  	(v2sf) =	vpush v0, $0x5  }
0x4c: {  	(v2sf) =	vpush v0, $0x6;
	_ =	sdelay $0x6  }
0x4d: {  	s12 =	rddreg [dreg:$0xc];
	(v2sf) =	vpush v0, $0x7  }
0x4e: {  	s17 =	smov.u32 s12;
	s29 =	simm.s32 $0x10;
	(v2sf) =	vpush v0, $0x8  }
0x4f: {  	s19 =	sadd.s32 $0xFFFFFFD0, s12;
	s30 =	sadd.s32 $0xFFFFFF10, s12;
	(v2sf) =	vpush v0, $0x9;
	s10 =	spop (v2sf)  }
0x50: {  	s18 =	sadd.s32 $0xFFFFFFE0, s12;
	s15 =	sadd.s32 $0xFFFFFFF0, s12;
	(v2sf) =	vpush v0, $0xA;
	s11 =	spop (v2sf)  }
0x51: {  	s5 =	simm.s32 $0x110;
	s1 =	simm.s32 $0x2000;
	(v2sf) =	vpush v0, $0xB;
	s14 =	spop (v2sf)  }
0x52: {  	s9 =	sadd.s32 $0xFFFFFFC0, s12;
	s13 =	sand.u32 $0x1FFFFFF0, s10;
	(v2sf) =	vpush v0, $0xC;
	s20 =	spop (v2sf)  }
0x53: {  	s23 =	sadd.s32 s3, s13;
	s31 =	sand.u32 $0x1FFFFFF0, s11;
	(v2sf) =	vpush v0, $0xD;
	s21 =	spop (v2sf)  }
0x54: {  	s26 =	sand.u32 $0x1FFFFFF0, s14;
	s24 =	sadd.s32 s3, s31;
	(v2sf) =	vpush v0, $0xE;
	s28 =	spop (v2sf)  }
0x55: {  	s13 =	sadd.s32 s3, s26;
	s26 =	sand.u32 $0x1FFFFFF0, s20;
	(v2sf) =	vpush v0, $0xF;
	s22 =	spop (v2sf)  }
0x56: {  	[hbm:s30], [sflag:s16] =	dma.local [hbm:s13], $0x10  }
0x57: {  	s25 =	sand.u32 $0x1FFFFFF0, s21;
	s28 =	sand.u32 $0x1FFFFFF0, s28;
	s13 =	smov.u32 s12  }
.LBB2_2:
0x58: {  	[dreg:$0x5] =	wrdreg s29  }
0x59: {  	[dreg:$0x4] =	wrdreg s5;
	s30 =	sand.u32 $0x1FFFFFF0, s22  }
0x5a: {  	s0 =	smov.u32 s1;
	p0 =	sne.s32 s1, $0x1E000;
	s11 =	sadd.s32 $0x2000, s1  }
0x5b: {  	s2 =	sadd.s32 $0xFFFFFFB0, s13;
	s12 =	sadd.s32 $0xFFFFFFA0, s13;
	s10 =	sadd.s32 $0xFFFFFF80, s13  }
0x5c: {  	s7 =	sadd.s32 $0xFFFFFF70, s13;
	s22 =	smov.u32 s18;
	s18 =	sadd.s32 $0xFFFFFF60, s13  }
0x5d: {  	s4 =	smov.u32 s19;
	s6 =	smov.u32 s15;
	s15 =	sadd.s32 $0xFFFFFF40, s13  }
0x5e: {  	s26 =	sadd.s32 s3, s26;
	s25 =	sadd.s32 s3, s25;
	[dreg:$0x6] =	wrdreg s0  }
0x5f: {  	s28 =	sadd.s32 s3, s28;
	[dreg:$0x3] =	wrdreg s11;
	s29 =	spop (v2sf)  }
0x60: {  	[dreg:$0x7] =	wrdreg s2;
	s31 =	sand.u32 $0x1FFFFFF0, s29;
	s29 =	spop (v2sf)  }
0x61: {  	[dreg:$0x8] =	wrdreg s12;
	s0 =	sand.u32 $0x1FFFFFF0, s29;
	s29 =	spop (v2sf)  }
0x62: {  	s30 =	sadd.s32 s3, s30;
	s31 =	sadd.s32 s3, s31;
	s11 =	spop (v2sf)  }
0x63: {  	s1 =	sand.u32 $0x1FFFFFF0, s29;
	s29 =	sadd.s32 $0xFFFFFF90, s13;
	s14 =	spop (v2sf)  }
0x64: {  	s0 =	sadd.s32 s3, s0;
	s11 =	sand.u32 $0x1FFFFFF0, s11;
	s8 =	spop (v2sf)  }
0x65: {  	s1 =	sadd.s32 s3, s1;
	s5 =	sand.u32 $0x1FFFFFF0, s14;
	s12 =	spop (v2sf)  }
0x66: {  	s14 =	sadd.s32 $0xFFFFFF30, s13;
	s11 =	sadd.s32 s3, s11;
	s20 =	spop (v2sf)  }
0x67: {  	s8 =	sand.u32 $0x1FFFFFF0, s8;
	s2 =	sand.u32 $0x1FFFFFF0, s20;
	s21 =	spop (v2sf)  }
0x68: {  	s20 =	sadd.s32 $0xFFFFFF50, s13;
	s19 =	sand.u32 $0x1FFFFFF0, s21;
	s21 =	sadd.s32 $0xFFFFFF20, s13  }
0x69: {  	[hbm:s21], [sflag:s16] =	dma.local [hbm:s26], $0x10  }
0x6a: {  	[hbm:s14], [sflag:s16] =	dma.local [hbm:s23], $0x10  }
0x6b: {  	[hbm:s15], [sflag:s16] =	dma.local [hbm:s24], $0x10  }
0x6c: {  	[hbm:s20], [sflag:s16] =	dma.local [hbm:s25], $0x10  }
0x6d: {  	[hbm:s18], [sflag:s16] =	dma.local [hbm:s28], $0x10  }
0x6e: {  	[hbm:s7], [sflag:s16] =	dma.local [hbm:s30], $0x10  }
0x6f: {  	[hbm:s10], [sflag:s16] =	dma.local [hbm:s31], $0x10  }
0x70: {  	[hbm:s29], [sflag:s16] =	dma.local [hbm:s0], $0x10  }
0x71: {  	s5 =	sadd.s32 s3, s5;
	s12 =	sand.u32 $0x1FFFFFF0, s12;
	s0 =	rddreg [dreg:$0x8]  }
0x72: {  	[hbm:s0], [sflag:s16] =	dma.local [hbm:s1], $0x10  }
0x73: {  	s8 =	sadd.s32 s3, s8;
	s12 =	sadd.s32 s3, s12;
	s0 =	rddreg [dreg:$0x7]  }
0x74: {  	[hbm:s0], [sflag:s16] =	dma.local [hbm:s11], $0x10  }
0x75: {  	s2 =	sadd.s32 s3, s2;
	s19 =	sadd.s32 s3, s19;
	s29 =	rddreg [dreg:$0x5]  }
0x76: {  	[hbm:s9], [sflag:s16] =	dma.local [hbm:s5], $0x10  }
0x77: {  	[hbm:s4], [sflag:s16] =	dma.local [hbm:s8], $0x10  }
0x78: {  	[hbm:s22], [sflag:s16] =	dma.local [hbm:s12], $0x10  }
0x79: {  	[hbm:s6], [sflag:s16] =	dma.local [hbm:s2], $0x10  }
0x7a: {  	[hbm:s13], [sflag:s16] =	dma.local [hbm:s19], $0x10  }
0x7b: {  	v0 =	vld [tilespmem:s29+$0x0];
	_ =	sdelay $0x4  }
0x7c: {  	v0 =	vshll.u32 v0, $0x4  }
0x7d: {  	(v2sf) =	vpush v0, $0x3  }
0x7e: {  	(v2sf) =	vpush v0, $0x2  }
0x7f: {  	(v2sf) =	vpush v0, $0x1  }
0x80: {  	(v2sf) =	vpush v0, $0x0  }
0x81: {  	(v2sf) =	vpush v0, $0x4  }
0x82: {  	(v2sf) =	vpush v0, $0x5;
	_ =	sdelay $0x2  }
0x83: {  	(v2sf) =	vpush v0, $0x6;
	_ =	sdelay $0x1  }
0x84: {  	(v2sf) =	vpush v0, $0x7  }
0x85: {  	s2 =	rddreg [dreg:$0x6]  }
0x86: {  	s18 =	sshra.s32 s2, $0x2;
	(v2sf) =	vpush v0, $0x8  }
0x87: {  	s0 =	sadd.s32 $0x300, s18  }
0x88: {  	s20 =	sadd.s32 $0x500, s18;
	s4 =	sadd.s32 $0x200, s18;
	s19 =	sadd.s32 $0x680, s18;
	(v2sf) =	vpush v0, $0x9  }
0x89: {  	s9 =	sadd.s32 $0x280, s18;
	s21 =	sadd.s32 $0x580, s18;
	s8 =	spop (v2sf)  }
0x8a: {  	s11 =	sadd.s32 $0x380, s18;
	(v2sf) =	vpush v0, $0xA;
	s12 =	spop (v2sf);
	s2 =	sand.u32 $0x1FFFFFF0, s8  }
0x8b: {  	s8 =	sadd.s32 $0x400, s18;
	s5 =	sand.u32 $0x1FFFFFF0, s12;
	s14 =	spop (v2sf)  }
0x8c: {  	s2 =	sadd.s32 s3, s2;
	s12 =	sadd.s32 $0x480, s18;
	s15 =	spop (v2sf)  }
0x8d: {  	s6 =	sand.u32 $0x1FFFFFF0, s14;
	s5 =	sadd.s32 s3, s5;
	s22 =	spop (v2sf)  }
0x8e: {  	(v2sf) =	vpush v0, $0xB;
	s7 =	sand.u32 $0x1FFFFFF0, s15;
	s6 =	sadd.s32 s3, s6;
	s23 =	spop (v2sf)  }
0x8f: {  	s7 =	sadd.s32 s3, s7;
	s14 =	sand.u32 $0x1FFFFFF0, s23;
	s23 =	simm.s32 $0x0  }
0x90: {  	[tilespmem:s4], [sflag:$0x1] =	stream.linear.gather [hbm4b:s7+s23], $0x80, $0x38;
	[tilespmem:$0x10200] =	vst v63  }
0x91: {  	s10 =	sand.u32 $0x1FFFFFF0, s22;
	s22 =	sadd.s32 $0x600, s18;
	s24 =	spop (v2sf)  }
0x92: {  	(v2sf) =	vpush v0, $0xC;
	[tilespmem:s9], [sflag:$0x1] =	stream.linear.gather [hbm4b:s6+s23], $0x80, $0x38;
	[tilespmem:$0x10200] =	vst v63  }
0x93: {  	s10 =	sadd.s32 s3, s10;
	s1 =	sadd.s32 s3, s14;
	s26 =	spop (v2sf)  }
0x94: {  	(v2sf) =	vpush v0, $0xD;
	[tilespmem:s0], [sflag:$0x1] =	stream.linear.gather [hbm4b:s5+s23], $0x80, $0x38;
	[tilespmem:$0x10200] =	vst v63  }
0x95: {  	s25 =	sand.u32 $0x1FFFFFF0, s24;
	s14 =	sand.u32 $0x1FFFFFF0, s26;
	s30 =	spop (v2sf)  }
0x96: {  	(v2sf) =	vpush v0, $0xE;
	[tilespmem:s11], [sflag:$0x1] =	stream.linear.gather [hbm4b:s2+s23], $0x80, $0x38;
	[tilespmem:$0x10200] =	vst v63  }
0x97: {  	s7 =	sadd.s32 s3, s25;
	s4 =	sadd.s32 s3, s14;
	s9 =	spop (v2sf)  }
0x98: {  	[tilespmem:s8], [sflag:$0x1] =	stream.linear.gather [hbm4b:s10+s23], $0x80, $0x38;
	[tilespmem:$0x10200] =	vst v63  }
0x99: {  	s31 =	sand.u32 $0x1FFFFFF0, s30;
	s15 =	sand.u32 $0x1FFFFFF0, s9;
	s24 =	spop (v2sf)  }
0x9a: {  	(v2sf) =	vpush v0, $0xF;
	[tilespmem:s12], [sflag:$0x1] =	stream.linear.gather [hbm4b:s1+s23], $0x80, $0x38;
	[tilespmem:$0x10200] =	vst v63  }
0x9b: {  	s0 =	sadd.s32 s3, s31;
	s25 =	sadd.s32 s3, s15;
	s26 =	sand.u32 $0x1FFFFFF0, s24  }
0x9c: {  	[tilespmem:s20], [sflag:$0x1] =	stream.linear.gather [hbm4b:s7+s23], $0x80, $0x38;
	[tilespmem:$0x10200] =	vst v63  }
0x9d: {  	s24 =	sadd.s32 $0x700, s18;
	s30 =	spop (v2sf);
	s5 =	sadd.s32 s3, s26  }
0x9e: {  	[tilespmem:s21], [sflag:$0x1] =	stream.linear.gather [hbm4b:s4+s23], $0x80, $0x38;
	[tilespmem:$0x10200] =	vst v63  }
0x9f: {  	s26 =	rddreg [dreg:$0x4];
	s6 =	sand.u32 $0x1FFFFFF0, s30;
	s30 =	sadd.s32 $0x800, s18  }
0xa0: {  	[tilespmem:s22], [sflag:$0x1] =	stream.linear.gather [hbm4b:s0+s23], $0x80, $0x38;
	[tilespmem:$0x10200] =	vst v63  }
0xa1: {  	s2 =	sadd.s32 $0xFFFFFF00, s26;
	s31 =	spop (v2sf);
	s9 =	sadd.s32 s3, s6  }
0xa2: {  	[tilespmem:s19], [sflag:$0x1] =	stream.linear.gather [hbm4b:s25+s23], $0x80, $0x38;
	[tilespmem:$0x10200] =	vst v63  }
0xa3: {  	s10 =	sand.u32 $0x1FFFFFF0, s31;
	s11 =	spop (v2sf);
	s31 =	sadd.s32 $0x880, s18  }
0xa4: {  	[tilespmem:s24], [sflag:$0x1] =	stream.linear.gather [hbm4b:s5+s23], $0x80, $0x38;
	[tilespmem:$0x10200] =	vst v63  }
0xa5: {  	s6 =	sadd.s32 s3, s10;
	s14 =	spop (v2sf);
	s25 =	sadd.s32 $0x780, s18  }
0xa6: {  	[tilespmem:s25], [sflag:$0x1] =	stream.linear.gather [hbm4b:s9+s23], $0x80, $0x38;
	[tilespmem:$0x10200] =	vst v63  }
0xa7: {  	s12 =	sand.u32 $0x1FFFFFF0, s11;
	s10 =	sand.u32 $0x180, s26;
	s20 =	sand.u32 $0x1FFFFFF0, s14  }
0xa8: {  	[tilespmem:s30], [sflag:$0x1] =	stream.linear.gather [hbm4b:s6+s23], $0x80, $0x38;
	[tilespmem:$0x10200] =	vst v63  }
0xa9: {  	s15 =	sadd.s32 s3, s12;
	s21 =	spop (v2sf);
	s7 =	sadd.s32 s3, s20  }
0xaa: {  	[tilespmem:s31], [sflag:$0x1] =	stream.linear.gather [hbm4b:s15+s23], $0x80, $0x38;
	[tilespmem:$0x10200] =	vst v63  }
0xab: {  	s8 =	sand.u32 $0x1FFFFFF0, s21;
	s0 =	sand.u32 $0x70, s2;
	s6 =	sadd.s32 $0x900, s18  }
0xac: {  	[tilespmem:s6], [sflag:$0x1] =	stream.linear.gather [hbm4b:s7+s23], $0x80, $0x38;
	[tilespmem:$0x10200] =	vst v63  }
0xad: {  	s8 =	sadd.s32 s3, s8;
	s0 =	sor.u32 s0, s10;
	s9 =	sadd.s32 $0x980, s18  }
0xae: {  	[tilespmem:s9], [sflag:$0x1] =	stream.linear.gather [hbm4b:s8+s23], $0x80, $0x38;
	[tilespmem:$0x10200] =	vst v63  }
0xaf: {  	v63 =	vld [tilespmem:s0+$0x0];
	_ =	sdelay $0x4  }
0xb0: {  	v0 =	vshll.u32 v63, $0x4  }
0xb1: {  	(v2sf) =	vpush v0, $0x2  }
0xb2: {  	(v2sf) =	vpush v0, $0x3  }
0xb3: {  	(v2sf) =	vpush v0, $0x0  }
0xb4: {  	(v2sf) =	vpush v0, $0x1  }
0xb5: {  	(v2sf) =	vpush v0, $0x4  }
0xb6: {  	(v2sf) =	vpush v0, $0x5  }
0xb7: {  	(v2sf) =	vpush v0, $0x6;
	_ =	sdelay $0x5  }
0xb8: {  	s17 =	sadd.s32 $0x100, s17  }
0xb9: {  	s13 =	smov.u32 s17;
	s29 =	sadd.s32 $0x10, s29;
	s14 =	simm.s32 $0x0;
	(v2sf) =	vpush v0, $0x7  }
0xba: {  	s21 =	sadd.s32 $0xFFFFFF10, s17;
	s19 =	sadd.s32 $0xFFFFFFD0, s17;
	s5 =	sadd.s32 $0x10, s26;
	(v2sf) =	vpush v0, $0x8  }
0xbb: {  	s18 =	sadd.s32 $0xFFFFFFE0, s17;
	s15 =	sadd.s32 $0xFFFFFFF0, s17;
	(v2sf) =	vpush v0, $0x9;
	s11 =	spop (v2sf)  }
0xbc: {  	s9 =	sadd.s32 $0xFFFFFFC0, s17;
	(v2sf) =	vpush v0, $0xA;
	s0 =	sand.u32 $0x1FFFFFF0, s11;
	s12 =	spop (v2sf)  }
0xbd: {  	(v2sf) =	vpush v0, $0xB;
	s23 =	sadd.s32 s3, s0;
	s20 =	spop (v2sf);
	s1 =	sand.u32 $0x1FFFFFF0, s12  }
.Ltmp0:
0xbe: {  	(v2sf) =	vpush v0, $0xC;
	s0 =	sand.u32 $0x1FFFFFF0, s20;
	s26 =	spop (v2sf);
	(pc) =	sbr.rel @p0 .LBB2_2-.Ltmp0, $4  }
0xbf: {  	(v2sf) =	vpush v0, $0xD;
	s24 =	sadd.s32 s3, s1;
	s1 =	rddreg [dreg:$0x3];
	s30 =	spop (v2sf)  }
0xc0: {  	(v2sf) =	vpush v0, $0xE;
	s0 =	sadd.s32 s3, s0;
	s26 =	sand.u32 $0x1FFFFFF0, s26;
	s31 =	spop (v2sf)  }
0xc1: {  	(v2sf) =	vpush v0, $0xF;
	s25 =	sand.u32 $0x1FFFFFF0, s30;
	s28 =	sand.u32 $0x1FFFFFF0, s31;
	s22 =	spop (v2sf)  }
0xc2: {  	[hbm:s21], [sflag:s16] =	dma.local [hbm:s0], $0x10  }
0xc3: {  	_ =	sdelay $0x4  }
0xc4: {  	s0 =	spop (v2sf)  }
0xc5: {  	s1 =	spop (v2sf)  }
0xc6: {  	s2 =	spop (v2sf)  }
0xc7: {  	s4 =	spop (v2sf)  }
0xc8: {  	s11 =	sadd.s32 $0xFFFFFF20, s13;
	s5 =	spop (v2sf)  }
0xc9: {  	s12 =	sadd.s32 s3, s26;
	s17 =	sadd.s32 $0xFFFFFF30, s13;
	s6 =	spop (v2sf)  }
0xca: {  	s20 =	sadd.s32 $0xFFFFFF40, s13;
	s21 =	sadd.s32 $0xFFFFFF50, s13;
	s7 =	spop (v2sf)  }
0xcb: {  	s26 =	sand.u32 $0x1FFFFFF0, s22;
	s0 =	sand.u32 $0x1FFFFFF0, s0;
	s8 =	spop (v2sf)  }
0xcc: {  	s29 =	sadd.s32 $0xFFFFFF80, s13;
	s0 =	sadd.s32 s3, s0;
	s10 =	spop (v2sf)  }
0xcd: {  	[hbm:s11], [sflag:s16] =	dma.local [hbm:s12], $0x10  }
0xce: {  	[hbm:s17], [sflag:s16] =	dma.local [hbm:s23], $0x10  }
0xcf: {  	s30 =	sand.u32 $0x1FFFFFF0, s1;
	s11 =	sadd.s32 s3, s26;
	s23 =	sadd.s32 s3, s25  }
0xd0: {  	[hbm:s20], [sflag:s16] =	dma.local [hbm:s24], $0x10  }
0xd1: {  	s25 =	sadd.s32 s3, s28;
	s28 =	sadd.s32 $0xFFFFFF70, s13;
	s24 =	sadd.s32 $0xFFFFFF60, s13  }
0xd2: {  	[hbm:s21], [sflag:s16] =	dma.local [hbm:s23], $0x10  }
0xd3: {  	[hbm:s24], [sflag:s16] =	dma.local [hbm:s25], $0x10  }
0xd4: {  	[hbm:s28], [sflag:s16] =	dma.local [hbm:s11], $0x10  }
0xd5: {  	[hbm:s29], [sflag:s16] =	dma.local [hbm:s0], $0x10  }
0xd6: {  	s31 =	sadd.s32 $0xFFFFFF90, s13;
	s11 =	sand.u32 $0x1FFFFFF0, s2;
	s0 =	sadd.s32 s3, s30  }
0xd7: {  	[hbm:s31], [sflag:s16] =	dma.local [hbm:s0], $0x10  }
0xd8: {  	s12 =	sadd.s32 $0xFFFFFFA0, s13;
	s17 =	sand.u32 $0x1FFFFFF0, s4;
	s0 =	sadd.s32 s3, s11  }
0xd9: {  	[hbm:s12], [sflag:s16] =	dma.local [hbm:s0], $0x10  }
0xda: {  	s20 =	sadd.s32 $0xFFFFFFB0, s13;
	s21 =	sand.u32 $0x1FFFFFF0, s5;
	s0 =	sadd.s32 s3, s17  }
0xdb: {  	[hbm:s20], [sflag:s16] =	dma.local [hbm:s0], $0x10  }
0xdc: {  	s22 =	sand.u32 $0x1FFFFFF0, s6;
	s0 =	sadd.s32 s3, s21  }
0xdd: {  	[hbm:s9], [sflag:s16] =	dma.local [hbm:s0], $0x10  }
0xde: {  	s23 =	sand.u32 $0x1FFFFFF0, s7;
	s0 =	sadd.s32 s3, s22  }
0xdf: {  	[hbm:s19], [sflag:s16] =	dma.local [hbm:s0], $0x10  }
0xe0: {  	s24 =	sand.u32 $0x1FFFFFF0, s8;
	s0 =	sadd.s32 s3, s23  }
0xe1: {  	[hbm:s18], [sflag:s16] =	dma.local [hbm:s0], $0x10  }
0xe2: {  	s25 =	sand.u32 $0x1FFFFFF0, s10;
	s0 =	sadd.s32 s3, s24  }
0xe3: {  	[hbm:s15], [sflag:s16] =	dma.local [hbm:s0], $0x10  }
0xe4: {  	s26 =	simm.s32 $0x1;
	s0 =	sadd.s32 s3, s25  }
0xe5: {  	[hbm:s13], [sflag:s16] =	dma.local [hbm:s0], $0x10  }
0xe6: {  	_ =	swait.ge [sflag:s26], $0x8000  }
0xe7: {  	[sflag:s26] =	ssyncset.done $0x0  }
0xe8: {  	[sflag:s26] =	ssyncadd.s32 $0xFFFF8000  }
0xe9: {  	_ =	swait.ge [sflag:s26], $0x1000  }
0xea: {  	s2 =	simm.s32 $0x2;
	[sflag:s26] =	ssyncset.done $0x0  }
0xeb: {  	s29 =	simm.s32 $0x200;
	s28 =	rddreg [dreg:$0xa];
	[sflag:s26] =	ssyncadd.s32 $0xFFFFF000  }
0xec: {  	[hbm4b:s28+s14] =	stream.linear.scatter [tilespmem:s29], [sflag:$0x2], $0x8000, $0x38;
	[tilespmem:$0x10200] =	vst v63  }
0xed: {  	_ =	swait.ge [sflag:s2], $0x8000  }
0xee: {  	s30 =	rddreg [dreg:$0xd]  }
0xef: {  	s31 =	rddreg [dreg:$0xb];
	s1 =	sadd.s32 $0x1, s30  }
0xf0: {  	p0 =	sne.s32 s1, s31  }
.Ltmp1:
0xf1: {  	_ = 	snop;
	(pc) =	sbr.rel @p0 .LBB2_1-.Ltmp1, $3  }
0xf2: {  	_ =	sdelay $0x1  }
0xf3: {  	[sflag:s2] =	ssyncset.done $0x0  }
0xf4: {  	[sflag:s2] =	ssyncadd.s32 $0xFFFF8000  }
0xf5: {  	_ =	sfence.sel $0x180000  }
0xf6: {  	[bflag:$0x0] =	sbarrier.arrive $0xFFFF  }
0xf7: {  	_ =	strace $0x90000047  }
0xf8: {  	s0 =	stileid.u32;
	[bflag:$0x2] =	sbarrier.arrive $0xFFFF  }
0xf9: {  	p0 =	sne.s32 s0, $0x0;
	s0 =	rddreg [dreg:$0x2]  }
0xfa: {  	s0 =	sadd.s32 @!p0 $0x100000, s0  }
0xfb: {  	[sflag:s0] =	ssyncadd.tile.s32 @!p0 $0x1;
	_ =	shalt  }
.Lfunc_end2:
_tile_overlayer_lowered:
.L_overlay_start_2:
0xfc: {  	(tag) =	ssettag $0x2  }
0xfd: {  	s0 =	rddreg [dreg:$0x0];
	s2 =	stileid.u32  }
0xfe: {  	s1 =	rddreg [dreg:$0x1];
	p0 =	sne.s32 s2, $0x0  }
0xff: {  	s3 =	rddreg [dreg:$0x2];
	[bflag:$0x3] =	sbarrier.arrive $0xFFFF;
	s2 =	simm.s32 @!p0 $0x1C02  }
0x100: {  	[timem:s3], [sflag:s2] =	dma.local @!p0 [hbm:s0], s1  }
0x101: {  	s0 =	simm.s32 @!p0 $0x2  }
0x102: {  	_ =	swait.ge @!p0 [sflag:s0], s1  }
0x103: {  	s1 =	ssub.s32 @!p0 $0x0, s1;
	[sflag:s0] =	ssyncset.done @!p0 $0x0  }
0x104: {  	[sflag:s0] =	ssyncadd.s32 @!p0 s1  }
0x105: {  	[bflag:$0x3] =	sbarrier.arrive $0xFFFF  }
0x106: {  	_ =	shalt  }

</sc_bundles>
